<compile_context>
chip_gen: v7x
topology: tpu7x:2x2x1
jax: 0.10.2.dev20260603
libtpu: 0.0.44.dev20260713+nightly
codegen_flags: <defaults>
</compile_context>

<pallas_src>
import functools
import jax
import jax.numpy as jnp
from jax import lax
from jax.experimental import pallas as pl
from jax.experimental.pallas import tpu as pltpu
from jax.experimental.pallas import tpu_sc as plsc

_NC, _NS = 2, 16
_NW = _NC * _NS

N = 10000
E = 160000
D = 128
OUT = 32
K = 25
C = 10

MSG_B = 1000
EPI_B = 1000

_GCH = 1000

_RNG = 320
_SLAB = 328
_ACH = 512


def _sc_gather(x, src):
    b_per_w = E // _NW
    mesh = plsc.VectorSubcoreMesh(core_axis_name="c", subcore_axis_name="s")

    @functools.partial(
        pl.kernel, mesh=mesh,
        out_type=jax.ShapeDtypeStruct((E, D), jnp.float32),
        scratch_types=[
            pltpu.VMEM((_GCH,), jnp.int32),
            pltpu.VMEM((_GCH, D), jnp.float32),
            pltpu.SemaphoreType.DMA,
        ],
    )
    def k(x_hbm, src_hbm, out_hbm, idx_v, rows_v, sem):
        wid = lax.axis_index("s") * _NC + lax.axis_index("c")
        base = wid * b_per_w
        for i in range(b_per_w // _GCH):
            off = base + i * _GCH
            pltpu.sync_copy(src_hbm.at[pl.ds(off, _GCH)], idx_v)
            pltpu.async_copy(x_hbm.at[idx_v], rows_v, sem).wait()
            pltpu.sync_copy(rows_v, out_hbm.at[pl.ds(off, _GCH)])

    return k(x, src)


def _sc_segmax(msg_pad, dst_sorted_pad, rs):
    mesh = plsc.VectorSubcoreMesh(core_axis_name="c", subcore_axis_name="s")

    @functools.partial(
        pl.kernel, mesh=mesh,
        out_type=jax.ShapeDtypeStruct((_NW * _RNG, OUT), jnp.float32),
        scratch_types=[
            pltpu.VMEM((48,), jnp.int32),
            pltpu.VMEM((_ACH,), jnp.int32),
            pltpu.VMEM((_ACH, OUT), jnp.float32),
            pltpu.VMEM((_SLAB, OUT), jnp.float32),
        ],
    )
    def k(msg_hbm, dsts_hbm, rs_hbm, out_hbm,
          rs_v, dl_v, rows_v, slab):
        w = lax.axis_index("s") * _NC + lax.axis_index("c")
        iota = lax.iota(jnp.int32, 16)
        neg = jnp.full((16,), -jnp.inf, jnp.float32)

        pltpu.sync_copy(rs_hbm, rs_v)
        a_vec = rs_v[pl.ds(w, 1)]
        b_vec = rs_v[pl.ds(w + 1, 1)]
        a0 = a_vec[0]
        b0 = b_vec[0]
        start = lax.shift_right_logical(a0, 3) * 8
        cnt = b0 - start
        base_node = w * _RNG

        def initslab(i, _):
            slab[i, pl.ds(0, 16)] = neg
            slab[i, pl.ds(16, 16)] = neg
            return 0
        lax.fori_loop(0, _SLAB, initslab, 0)

        nch = lax.shift_right_logical(cnt + (_ACH - 1), 9)

        def chunk(ch, _):
            off = start + ch * _ACH
            pltpu.sync_copy(dsts_hbm.at[pl.ds(off, _ACH)], dl_v)

            def prep(i, _):
                d = dl_v[pl.ds(i * 16, 16)]
                dl = jnp.clip(d - base_node, 0, _RNG - 1)
                g = jnp.full((16,), off + i * 16, jnp.int32) + iota
                valid = jnp.logical_and(g >= a0, g < b0)
                dl_v[pl.ds(i * 16, 16)] = jnp.where(
                    valid, dl, jnp.full((16,), _RNG, jnp.int32))
                return 0
            lax.fori_loop(0, _ACH // 16, prep, 0)

            pltpu.sync_copy(msg_hbm.at[pl.ds(off, _ACH)], rows_v)

            def rmw(e, _):
                dv = dl_v[pl.ds(e, 1)]
                d = dv[0]
                m0 = rows_v[e, pl.ds(0, 16)]
                m1 = rows_v[e, pl.ds(16, 16)]
                slab[d, pl.ds(0, 16)] = jnp.maximum(slab[d, pl.ds(0, 16)], m0)
                slab[d, pl.ds(16, 16)] = jnp.maximum(slab[d, pl.ds(16, 16)], m1)
                return 0
            lax.fori_loop(0, _ACH, rmw, 0)
            return 0
        lax.fori_loop(0, nch, chunk, 0)

        pltpu.sync_copy(slab.at[pl.ds(0, _RNG)], out_hbm.at[pl.ds(base_node, _RNG)])

    return k(msg_pad, dst_sorted_pad, rs)


def _msg_body(ea_ref, xg_ref, w1_ref, b1_ref, w2aug_ref, out_ref):
    a = ea_ref[...]
    h = jnp.maximum(a * w1_ref[...] + b1_ref[...], 0.0)
    u = jnp.dot(xg_ref[...], w2aug_ref[...],
                preferred_element_type=jnp.float32)
    msg = u[:, K * OUT:(K + 1) * OUT]
    for k in range(K):
        msg = msg + h[:, k:k + 1] * u[:, k * OUT:(k + 1) * OUT]
    out_ref[...] = msg


def _msg_tc(ea, xg, W1, b1, W2aug):
    grid = E // MSG_B + 1
    last = E // MSG_B - 1
    return pl.pallas_call(
        _msg_body,
        grid=(grid,),
        in_specs=[
            pl.BlockSpec((MSG_B, 1), lambda i: (jnp.minimum(i, last), 0)),
            pl.BlockSpec((MSG_B, D), lambda i: (jnp.minimum(i, last), 0)),
            pl.BlockSpec((1, K), lambda i: (0, 0)),
            pl.BlockSpec((1, K), lambda i: (0, 0)),
            pl.BlockSpec((D, (K + 1) * OUT), lambda i: (0, 0)),
        ],
        out_specs=pl.BlockSpec((MSG_B, OUT), lambda i: (i, 0)),
        out_shape=jax.ShapeDtypeStruct((E + MSG_B, OUT), jnp.float32),
    )(ea, xg, W1, b1, W2aug)


def _epilogue_body(agg_ref, x_ref, wr_ref, br_ref, wfc_ref, bfc_ref, out_ref):
    raw = agg_ref[...]
    agg = jnp.where(jnp.isneginf(raw), 0.0, raw)
    root = jnp.dot(x_ref[...], wr_ref[...], preferred_element_type=jnp.float32)
    o = agg + root + br_ref[...]
    h1 = jnp.where(o > 0, o, jnp.exp(jnp.minimum(o, 0.0)) - 1.0)
    logits = jnp.dot(h1, wfc_ref[...], preferred_element_type=jnp.float32) \
        + bfc_ref[...]
    m = jnp.max(logits, axis=1, keepdims=True)
    lse = m + jnp.log(jnp.sum(jnp.exp(logits - m), axis=1, keepdims=True))
    out_ref[...] = logits - lse


def _epilogue_tc(agg, x, WrT, b_root, WfcT, b_fc):
    grid = N // EPI_B
    return pl.pallas_call(
        _epilogue_body,
        grid=(grid,),
        in_specs=[
            pl.BlockSpec((EPI_B, OUT), lambda i: (i, 0)),
            pl.BlockSpec((EPI_B, D), lambda i: (i, 0)),
            pl.BlockSpec((D, OUT), lambda i: (0, 0)),
            pl.BlockSpec((1, OUT), lambda i: (0, 0)),
            pl.BlockSpec((OUT, C), lambda i: (0, 0)),
            pl.BlockSpec((1, C), lambda i: (0, 0)),
        ],
        out_specs=pl.BlockSpec((EPI_B, C), lambda i: (i, 0)),
        out_shape=jax.ShapeDtypeStruct((N, C), jnp.float32),
    )(agg, x, WrT, b_root, WfcT, b_fc)


def kernel(x, edge_index, edge_attr, W1, b1, W2, b2, W_root, b_root, W_fc, b_fc):
    src = edge_index[0]
    dst = edge_index[1]
    W2aug = jnp.concatenate([
        W2.reshape(D, OUT, K).transpose(0, 2, 1).reshape(D, K * OUT),
        b2.reshape(D, OUT),
    ], axis=1)
    w1row = W1.reshape(1, K)
    b1row = b1.reshape(1, K)

    perm = jnp.argsort(dst)
    dst_sorted = dst[perm]
    src_perm = src[perm]
    ea_perm = edge_attr[perm]
    bounds = jnp.arange(0, (_NW + 1) * _RNG, _RNG, dtype=jnp.int32)
    rs = jnp.searchsorted(dst_sorted, bounds).astype(jnp.int32)
    rs_pad = jnp.concatenate([rs, jnp.zeros((48 - _NW - 1,), jnp.int32)])
    zpad = jnp.zeros((_ACH,), jnp.int32)
    dst_sorted_pad = jnp.concatenate([dst_sorted, zpad])

    xg = _sc_gather(x, src_perm)
    msg_pad = _msg_tc(ea_perm, xg, w1row, b1row, W2aug)
    agg_full = _sc_segmax(msg_pad, dst_sorted_pad, rs_pad)
    agg = agg_full[:N]

    return _epilogue_tc(agg, x, W_root.T, b_root.reshape(1, OUT),
                        W_fc.T, b_fc.reshape(1, C))

# --- scband reference (transcript-rebuilt; emitter-appended) ---
"""Pipeline reference for scband-nnconv-net-1layer-88553635709218 (READ-ONLY COPY).

The authoritative reference and input builder live on the scoring server;
editing this copy changes nothing except your own understanding.
"""

import jax, jax.numpy as jnp
import numpy as np

N = 10000
E = 160000
D = 128
OUT = 32
C = 10

def setup_inputs(seed: int = 0):
    key = jax.random.key(seed)
    ks = jax.random.split(key, 12)
    x = jax.random.normal(ks[0], (N, D), dtype=jnp.float32)
    edge_index = jax.random.randint(ks[1], (2, E), 0, N, dtype=jnp.int32)
    edge_attr = jax.random.uniform(ks[2], (E, 1), dtype=jnp.float32)
    W1 = jax.random.normal(ks[3], (25, 1), dtype=jnp.float32) * 0.5
    b1 = jnp.zeros((25,), dtype=jnp.float32)
    W2 = jax.random.normal(ks[4], (D * OUT, 25), dtype=jnp.float32) * 0.05
    b2 = jnp.zeros((D * OUT,), dtype=jnp.float32)
    W_root = jax.random.normal(ks[5], (OUT, D), dtype=jnp.float32) * (1.0 / np.sqrt(D))
    b_root = jnp.zeros((OUT,), dtype=jnp.float32)
    W_fc = jax.random.normal(ks[6], (C, OUT), dtype=jnp.float32) * (1.0 / np.sqrt(OUT))
    b_fc = jnp.zeros((C,), dtype=jnp.float32)
    return {"x": x, "edge_index": edge_index, "edge_attr": edge_attr, "W1": W1, "b1": b1, "W2": W2, "b2": b2, "W_root": W_root, "b_root": b_root, "W_fc": W_fc, "b_fc": b_fc}

def reference(x, edge_index, edge_attr, W1, b1, W2, b2, W_root, b_root, W_fc, b_fc):
    src = edge_index[0]
    dst = edge_index[1]
    # edge-conditioned weight MLP: Linear(1,25) -> ReLU -> Linear(25, D*OUT)
    h = jnp.maximum(edge_attr @ W1.T + b1, 0.0)
    w = (h @ W2.T + b2).reshape(-1, D, OUT)
    # NNConv message: x_j (source node features) transformed by per-edge weight
    msg = jnp.einsum('ei,eio->eo', x[src], w)
    # aggr='max' -> segment max over destination nodes; empty segments -> 0 (torch_scatter convention)
    agg = jax.ops.segment_max(msg, dst, num_segments=N)
    agg = jnp.where(jnp.isneginf(agg), 0.0, agg)
    # root weight (Linear without bias) + conv bias
    out = agg + x @ W_root.T + b_root
    h1 = jax.nn.elu(out)
    logits = h1 @ W_fc.T + b_fc
    return jax.nn.log_softmax(logits, axis=1)

if __name__ == "__main__":
    import jax
    _d = setup_inputs()
    print(jax.jit(kernel)(*tuple(_d.values())))

</pallas_src>

<mosaic_0001>
#map = affine_map<(d0, d1) -> (0, 0)>
#map1 = affine_map<(d0, d1) -> (0)>
module attributes {stable_mosaic.version = 14 : i64} {
  func.func @k(%arg0: i32, %arg1: i32, %arg2: memref<10000x128xf32, #tpu.memory_space<hbm>>, %arg3: memref<160000xi32, #tpu.memory_space<hbm>>, %arg4: memref<160000x128xf32, #tpu.memory_space<hbm>>, %arg5: memref<1000xi32, #tpu.memory_space<vmem>>, %arg6: memref<1000x128xf32, #tpu.memory_space<vmem>>, %arg7: memref<!tpu.dma_semaphore, #tpu.memory_space<semaphore_mem>>) attributes {dimension_semantics = [#tpu.dimension_semantics<core_parallel>, #tpu.dimension_semantics<subcore_parallel>], iteration_bounds = array<i64: 2, 16>, scalar_prefetch = 0 : i64, scratch_operands = 3 : i64, tpu.core_type = #tpu.core_type<sc_vector_subcore>, window_params = [{transform_indices = #map}, {transform_indices = #map1}, {transform_indices = #map}]} {
    %mul3A = arith.constant 2 : i32
    %mul3A_0 = arith.muli %arg1, %mul3A : i32
    %add3A = arith.addi %mul3A_0, %arg0 : i32
    %mul3A_1 = arith.constant 5000 : i32
    %mul3A_2 = arith.muli %add3A, %mul3A_1 : i32
    %add3A_3 = arith.constant 0 : i32
    %add3A_4 = arith.addi %mul3A_2, %add3A_3 : i32
    "tpu.region"() ({
      %run_scoped3A = tpu.sem_alloc : memref<!tpu.dma_semaphore, #tpu.memory_space<semaphore_mem>>
      %dma_start3A_41 = tpu.memref_slice %arg3[%add3A_4] : memref<160000xi32, #tpu.memory_space<hbm>> -> memref<1000xi32, #tpu.memory_space<hbm>>
      %dma_start3A_42 = tpu.memref_slice %arg3[%add3A_4] : memref<160000xi32, #tpu.memory_space<hbm>> -> memref<1000xi32, #tpu.memory_space<hbm>>
      tpu.enqueue_dma source(%dma_start3A_42 : memref<1000xi32, #tpu.memory_space<hbm>>) target(%arg5 : memref<1000xi32, #tpu.memory_space<vmem>>) target_semaphore(%run_scoped3A : memref<!tpu.dma_semaphore, #tpu.memory_space<semaphore_mem>>)
      %dma_wait3A_43 = tpu.memref_slice %arg3[%add3A_4] : memref<160000xi32, #tpu.memory_space<hbm>> -> memref<1000xi32, #tpu.memory_space<hbm>>
      %dma_wait3A_44 = tpu.memref_slice %arg3[%add3A_4] : memref<160000xi32, #tpu.memory_space<hbm>> -> memref<1000xi32, #tpu.memory_space<hbm>>
      tpu.wait_dma2 semaphore(%run_scoped3A : memref<!tpu.dma_semaphore, #tpu.memory_space<semaphore_mem>>) src(%dma_wait3A_44 : memref<1000xi32, #tpu.memory_space<hbm>>) dst(%arg5 : memref<1000xi32, #tpu.memory_space<vmem>>)
      tpu.yield
    }) : () -> ()
    %dma_start3A = arith.constant 0 : i32
    %dma_start3A_5 = arith.constant 0 : i32
    %dma_start3A_6 = tpu.memref_slice %arg2[%dma_start3A, %dma_start3A_5] : memref<10000x128xf32, #tpu.memory_space<hbm>> -> memref<10000x128xf32, #tpu.memory_space<hbm>>
    tpu.enqueue_indirect_dma source(%dma_start3A_6 : memref<10000x128xf32, #tpu.memory_space<hbm>>) target(%arg6 : memref<1000x128xf32, #tpu.memory_space<vmem>>) offsets(%arg5 : memref<1000xi32, #tpu.memory_space<vmem>>) semaphore(%arg7 : memref<!tpu.dma_semaphore, #tpu.memory_space<semaphore_mem>>)
    %dma_wait3A = arith.constant 0 : i32
    %dma_wait3A_7 = arith.constant 0 : i32
    %dma_wait3A_8 = tpu.memref_slice %arg2[%dma_wait3A, %dma_wait3A_7] : memref<10000x128xf32, #tpu.memory_space<hbm>> -> memref<10000x128xf32, #tpu.memory_space<hbm>>
    tpu.wait_indirect_dma semaphore(%arg7 : memref<!tpu.dma_semaphore, #tpu.memory_space<semaphore_mem>>) src(%dma_wait3A_8 : memref<10000x128xf32, #tpu.memory_space<hbm>>) dst(%arg6 : memref<1000x128xf32, #tpu.memory_space<vmem>>)
    "tpu.region"() ({
      %run_scoped3A = tpu.sem_alloc : memref<!tpu.dma_semaphore, #tpu.memory_space<semaphore_mem>>
      %dma_start3A_41 = arith.constant 0 : i32
      %dma_start3A_42 = tpu.memref_slice %arg4[%add3A_4, %dma_start3A_41] : memref<160000x128xf32, #tpu.memory_space<hbm>> -> memref<1000x128xf32, #tpu.memory_space<hbm>>
      %dma_start3A_43 = arith.constant 0 : i32
      %dma_start3A_44 = tpu.memref_slice %arg4[%add3A_4, %dma_start3A_43] : memref<160000x128xf32, #tpu.memory_space<hbm>> -> memref<1000x128xf32, #tpu.memory_space<hbm>>
      tpu.enqueue_dma source(%arg6 : memref<1000x128xf32, #tpu.memory_space<vmem>>) target(%dma_start3A_44 : memref<1000x128xf32, #tpu.memory_space<hbm>>) target_semaphore(%run_scoped3A : memref<!tpu.dma_semaphore, #tpu.memory_space<semaphore_mem>>)
      %dma_wait3A_45 = arith.constant 0 : i32
      %dma_wait3A_46 = tpu.memref_slice %arg4[%add3A_4, %dma_wait3A_45] : memref<160000x128xf32, #tpu.memory_space<hbm>> -> memref<1000x128xf32, #tpu.memory_space<hbm>>
      %dma_wait3A_47 = arith.constant 0 : i32
      %dma_wait3A_48 = tpu.memref_slice %arg4[%add3A_4, %dma_wait3A_47] : memref<160000x128xf32, #tpu.memory_space<hbm>> -> memref<1000x128xf32, #tpu.memory_space<hbm>>
      tpu.wait_dma2 semaphore(%run_scoped3A : memref<!tpu.dma_semaphore, #tpu.memory_space<semaphore_mem>>) src(%arg6 : memref<1000x128xf32, #tpu.memory_space<vmem>>) dst(%dma_wait3A_48 : memref<1000x128xf32, #tpu.memory_space<hbm>>)
      tpu.yield
    }) : () -> ()
    %add3A_9 = arith.constant 1000 : i32
    %add3A_10 = arith.addi %mul3A_2, %add3A_9 : i32
    "tpu.region"() ({
      %run_scoped3A = tpu.sem_alloc : memref<!tpu.dma_semaphore, #tpu.memory_space<semaphore_mem>>
      %dma_start3A_41 = tpu.memref_slice %arg3[%add3A_10] : memref<160000xi32, #tpu.memory_space<hbm>> -> memref<1000xi32, #tpu.memory_space<hbm>>
      %dma_start3A_42 = tpu.memref_slice %arg3[%add3A_10] : memref<160000xi32, #tpu.memory_space<hbm>> -> memref<1000xi32, #tpu.memory_space<hbm>>
      tpu.enqueue_dma source(%dma_start3A_42 : memref<1000xi32, #tpu.memory_space<hbm>>) target(%arg5 : memref<1000xi32, #tpu.memory_space<vmem>>) target_semaphore(%run_scoped3A : memref<!tpu.dma_semaphore, #tpu.memory_space<semaphore_mem>>)
      %dma_wait3A_43 = tpu.memref_slice %arg3[%add3A_10] : memref<160000xi32, #tpu.memory_space<hbm>> -> memref<1000xi32, #tpu.memory_space<hbm>>
      %dma_wait3A_44 = tpu.memref_slice %arg3[%add3A_10] : memref<160000xi32, #tpu.memory_space<hbm>> -> memref<1000xi32, #tpu.memory_space<hbm>>
      tpu.wait_dma2 semaphore(%run_scoped3A : memref<!tpu.dma_semaphore, #tpu.memory_space<semaphore_mem>>) src(%dma_wait3A_44 : memref<1000xi32, #tpu.memory_space<hbm>>) dst(%arg5 : memref<1000xi32, #tpu.memory_space<vmem>>)
      tpu.yield
    }) : () -> ()
    %dma_start3A_11 = arith.constant 0 : i32
    %dma_start3A_12 = arith.constant 0 : i32
    %dma_start3A_13 = tpu.memref_slice %arg2[%dma_start3A_11, %dma_start3A_12] : memref<10000x128xf32, #tpu.memory_space<hbm>> -> memref<10000x128xf32, #tpu.memory_space<hbm>>
    tpu.enqueue_indirect_dma source(%dma_start3A_13 : memref<10000x128xf32, #tpu.memory_space<hbm>>) target(%arg6 : memref<1000x128xf32, #tpu.memory_space<vmem>>) offsets(%arg5 : memref<1000xi32, #tpu.memory_space<vmem>>) semaphore(%arg7 : memref<!tpu.dma_semaphore, #tpu.memory_space<semaphore_mem>>)
    %dma_wait3A_14 = arith.constant 0 : i32
    %dma_wait3A_15 = arith.constant 0 : i32
    %dma_wait3A_16 = tpu.memref_slice %arg2[%dma_wait3A_14, %dma_wait3A_15] : memref<10000x128xf32, #tpu.memory_space<hbm>> -> memref<10000x128xf32, #tpu.memory_space<hbm>>
    tpu.wait_indirect_dma semaphore(%arg7 : memref<!tpu.dma_semaphore, #tpu.memory_space<semaphore_mem>>) src(%dma_wait3A_16 : memref<10000x128xf32, #tpu.memory_space<hbm>>) dst(%arg6 : memref<1000x128xf32, #tpu.memory_space<vmem>>)
    "tpu.region"() ({
      %run_scoped3A = tpu.sem_alloc : memref<!tpu.dma_semaphore, #tpu.memory_space<semaphore_mem>>
      %dma_start3A_41 = arith.constant 0 : i32
      %dma_start3A_42 = tpu.memref_slice %arg4[%add3A_10, %dma_start3A_41] : memref<160000x128xf32, #tpu.memory_space<hbm>> -> memref<1000x128xf32, #tpu.memory_space<hbm>>
      %dma_start3A_43 = arith.constant 0 : i32
      %dma_start3A_44 = tpu.memref_slice %arg4[%add3A_10, %dma_start3A_43] : memref<160000x128xf32, #tpu.memory_space<hbm>> -> memref<1000x128xf32, #tpu.memory_space<hbm>>
      tpu.enqueue_dma source(%arg6 : memref<1000x128xf32, #tpu.memory_space<vmem>>) target(%dma_start3A_44 : memref<1000x128xf32, #tpu.memory_space<hbm>>) target_semaphore(%run_scoped3A : memref<!tpu.dma_semaphore, #tpu.memory_space<semaphore_mem>>)
      %dma_wait3A_45 = arith.constant 0 : i32
      %dma_wait3A_46 = tpu.memref_slice %arg4[%add3A_10, %dma_wait3A_45] : memref<160000x128xf32, #tpu.memory_space<hbm>> -> memref<1000x128xf32, #tpu.memory_space<hbm>>
      %dma_wait3A_47 = arith.constant 0 : i32
      %dma_wait3A_48 = tpu.memref_slice %arg4[%add3A_10, %dma_wait3A_47] : memref<160000x128xf32, #tpu.memory_space<hbm>> -> memref<1000x128xf32, #tpu.memory_space<hbm>>
      tpu.wait_dma2 semaphore(%run_scoped3A : memref<!tpu.dma_semaphore, #tpu.memory_space<semaphore_mem>>) src(%arg6 : memref<1000x128xf32, #tpu.memory_space<vmem>>) dst(%dma_wait3A_48 : memref<1000x128xf32, #tpu.memory_space<hbm>>)
      tpu.yield
    }) : () -> ()
    %add3A_17 = arith.constant 2000 : i32
    %add3A_18 = arith.addi %mul3A_2, %add3A_17 : i32
    "tpu.region"() ({
      %run_scoped3A = tpu.sem_alloc : memref<!tpu.dma_semaphore, #tpu.memory_space<semaphore_mem>>
      %dma_start3A_41 = tpu.memref_slice %arg3[%add3A_18] : memref<160000xi32, #tpu.memory_space<hbm>> -> memref<1000xi32, #tpu.memory_space<hbm>>
      %dma_start3A_42 = tpu.memref_slice %arg3[%add3A_18] : memref<160000xi32, #tpu.memory_space<hbm>> -> memref<1000xi32, #tpu.memory_space<hbm>>
      tpu.enqueue_dma source(%dma_start3A_42 : memref<1000xi32, #tpu.memory_space<hbm>>) target(%arg5 : memref<1000xi32, #tpu.memory_space<vmem>>) target_semaphore(%run_scoped3A : memref<!tpu.dma_semaphore, #tpu.memory_space<semaphore_mem>>)
      %dma_wait3A_43 = tpu.memref_slice %arg3[%add3A_18] : memref<160000xi32, #tpu.memory_space<hbm>> -> memref<1000xi32, #tpu.memory_space<hbm>>
      %dma_wait3A_44 = tpu.memref_slice %arg3[%add3A_18] : memref<160000xi32, #tpu.memory_space<hbm>> -> memref<1000xi32, #tpu.memory_space<hbm>>
      tpu.wait_dma2 semaphore(%run_scoped3A : memref<!tpu.dma_semaphore, #tpu.memory_space<semaphore_mem>>) src(%dma_wait3A_44 : memref<1000xi32, #tpu.memory_space<hbm>>) dst(%arg5 : memref<1000xi32, #tpu.memory_space<vmem>>)
      tpu.yield
    }) : () -> ()
    %dma_start3A_19 = arith.constant 0 : i32
    %dma_start3A_20 = arith.constant 0 : i32
    %dma_start3A_21 = tpu.memref_slice %arg2[%dma_start3A_19, %dma_start3A_20] : memref<10000x128xf32, #tpu.memory_space<hbm>> -> memref<10000x128xf32, #tpu.memory_space<hbm>>
    tpu.enqueue_indirect_dma source(%dma_start3A_21 : memref<10000x128xf32, #tpu.memory_space<hbm>>) target(%arg6 : memref<1000x128xf32, #tpu.memory_space<vmem>>) offsets(%arg5 : memref<1000xi32, #tpu.memory_space<vmem>>) semaphore(%arg7 : memref<!tpu.dma_semaphore, #tpu.memory_space<semaphore_mem>>)
    %dma_wait3A_22 = arith.constant 0 : i32
    %dma_wait3A_23 = arith.constant 0 : i32
    %dma_wait3A_24 = tpu.memref_slice %arg2[%dma_wait3A_22, %dma_wait3A_23] : memref<10000x128xf32, #tpu.memory_space<hbm>> -> memref<10000x128xf32, #tpu.memory_space<hbm>>
    tpu.wait_indirect_dma semaphore(%arg7 : memref<!tpu.dma_semaphore, #tpu.memory_space<semaphore_mem>>) src(%dma_wait3A_24 : memref<10000x128xf32, #tpu.memory_space<hbm>>) dst(%arg6 : memref<1000x128xf32, #tpu.memory_space<vmem>>)
    "tpu.region"() ({
      %run_scoped3A = tpu.sem_alloc : memref<!tpu.dma_semaphore, #tpu.memory_space<semaphore_mem>>
      %dma_start3A_41 = arith.constant 0 : i32
      %dma_start3A_42 = tpu.memref_slice %arg4[%add3A_18, %dma_start3A_41] : memref<160000x128xf32, #tpu.memory_space<hbm>> -> memref<1000x128xf32, #tpu.memory_space<hbm>>
      %dma_start3A_43 = arith.constant 0 : i32
      %dma_start3A_44 = tpu.memref_slice %arg4[%add3A_18, %dma_start3A_43] : memref<160000x128xf32, #tpu.memory_space<hbm>> -> memref<1000x128xf32, #tpu.memory_space<hbm>>
      tpu.enqueue_dma source(%arg6 : memref<1000x128xf32, #tpu.memory_space<vmem>>) target(%dma_start3A_44 : memref<1000x128xf32, #tpu.memory_space<hbm>>) target_semaphore(%run_scoped3A : memref<!tpu.dma_semaphore, #tpu.memory_space<semaphore_mem>>)
      %dma_wait3A_45 = arith.constant 0 : i32
      %dma_wait3A_46 = tpu.memref_slice %arg4[%add3A_18, %dma_wait3A_45] : memref<160000x128xf32, #tpu.memory_space<hbm>> -> memref<1000x128xf32, #tpu.memory_space<hbm>>
      %dma_wait3A_47 = arith.constant 0 : i32
      %dma_wait3A_48 = tpu.memref_slice %arg4[%add3A_18, %dma_wait3A_47] : memref<160000x128xf32, #tpu.memory_space<hbm>> -> memref<1000x128xf32, #tpu.memory_space<hbm>>
      tpu.wait_dma2 semaphore(%run_scoped3A : memref<!tpu.dma_semaphore, #tpu.memory_space<semaphore_mem>>) src(%arg6 : memref<1000x128xf32, #tpu.memory_space<vmem>>) dst(%dma_wait3A_48 : memref<1000x128xf32, #tpu.memory_space<hbm>>)
      tpu.yield
    }) : () -> ()
    %add3A_25 = arith.constant 3000 : i32
    %add3A_26 = arith.addi %mul3A_2, %add3A_25 : i32
    "tpu.region"() ({
      %run_scoped3A = tpu.sem_alloc : memref<!tpu.dma_semaphore, #tpu.memory_space<semaphore_mem>>
      %dma_start3A_41 = tpu.memref_slice %arg3[%add3A_26] : memref<160000xi32, #tpu.memory_space<hbm>> -> memref<1000xi32, #tpu.memory_space<hbm>>
      %dma_start3A_42 = tpu.memref_slice %arg3[%add3A_26] : memref<160000xi32, #tpu.memory_space<hbm>> -> memref<1000xi32, #tpu.memory_space<hbm>>
      tpu.enqueue_dma source(%dma_start3A_42 : memref<1000xi32, #tpu.memory_space<hbm>>) target(%arg5 : memref<1000xi32, #tpu.memory_space<vmem>>) target_semaphore(%run_scoped3A : memref<!tpu.dma_semaphore, #tpu.memory_space<semaphore_mem>>)
      %dma_wait3A_43 = tpu.memref_slice %arg3[%add3A_26] : memref<160000xi32, #tpu.memory_space<hbm>> -> memref<1000xi32, #tpu.memory_space<hbm>>
      %dma_wait3A_44 = tpu.memref_slice %arg3[%add3A_26] : memref<160000xi32, #tpu.memory_space<hbm>> -> memref<1000xi32, #tpu.memory_space<hbm>>
      tpu.wait_dma2 semaphore(%run_scoped3A : memref<!tpu.dma_semaphore, #tpu.memory_space<semaphore_mem>>) src(%dma_wait3A_44 : memref<1000xi32, #tpu.memory_space<hbm>>) dst(%arg5 : memref<1000xi32, #tpu.memory_space<vmem>>)
      tpu.yield
    }) : () -> ()
    %dma_start3A_27 = arith.constant 0 : i32
    %dma_start3A_28 = arith.constant 0 : i32
    %dma_start3A_29 = tpu.memref_slice %arg2[%dma_start3A_27, %dma_start3A_28] : memref<10000x128xf32, #tpu.memory_space<hbm>> -> memref<10000x128xf32, #tpu.memory_space<hbm>>
    tpu.enqueue_indirect_dma source(%dma_start3A_29 : memref<10000x128xf32, #tpu.memory_space<hbm>>) target(%arg6 : memref<1000x128xf32, #tpu.memory_space<vmem>>) offsets(%arg5 : memref<1000xi32, #tpu.memory_space<vmem>>) semaphore(%arg7 : memref<!tpu.dma_semaphore, #tpu.memory_space<semaphore_mem>>)
    %dma_wait3A_30 = arith.constant 0 : i32
    %dma_wait3A_31 = arith.constant 0 : i32
    %dma_wait3A_32 = tpu.memref_slice %arg2[%dma_wait3A_30, %dma_wait3A_31] : memref<10000x128xf32, #tpu.memory_space<hbm>> -> memref<10000x128xf32, #tpu.memory_space<hbm>>
    tpu.wait_indirect_dma semaphore(%arg7 : memref<!tpu.dma_semaphore, #tpu.memory_space<semaphore_mem>>) src(%dma_wait3A_32 : memref<10000x128xf32, #tpu.memory_space<hbm>>) dst(%arg6 : memref<1000x128xf32, #tpu.memory_space<vmem>>)
    "tpu.region"() ({
      %run_scoped3A = tpu.sem_alloc : memref<!tpu.dma_semaphore, #tpu.memory_space<semaphore_mem>>
      %dma_start3A_41 = arith.constant 0 : i32
      %dma_start3A_42 = tpu.memref_slice %arg4[%add3A_26, %dma_start3A_41] : memref<160000x128xf32, #tpu.memory_space<hbm>> -> memref<1000x128xf32, #tpu.memory_space<hbm>>
      %dma_start3A_43 = arith.constant 0 : i32
      %dma_start3A_44 = tpu.memref_slice %arg4[%add3A_26, %dma_start3A_43] : memref<160000x128xf32, #tpu.memory_space<hbm>> -> memref<1000x128xf32, #tpu.memory_space<hbm>>
      tpu.enqueue_dma source(%arg6 : memref<1000x128xf32, #tpu.memory_space<vmem>>) target(%dma_start3A_44 : memref<1000x128xf32, #tpu.memory_space<hbm>>) target_semaphore(%run_scoped3A : memref<!tpu.dma_semaphore, #tpu.memory_space<semaphore_mem>>)
      %dma_wait3A_45 = arith.constant 0 : i32
      %dma_wait3A_46 = tpu.memref_slice %arg4[%add3A_26, %dma_wait3A_45] : memref<160000x128xf32, #tpu.memory_space<hbm>> -> memref<1000x128xf32, #tpu.memory_space<hbm>>
      %dma_wait3A_47 = arith.constant 0 : i32
      %dma_wait3A_48 = tpu.memref_slice %arg4[%add3A_26, %dma_wait3A_47] : memref<160000x128xf32, #tpu.memory_space<hbm>> -> memref<1000x128xf32, #tpu.memory_space<hbm>>
      tpu.wait_dma2 semaphore(%run_scoped3A : memref<!tpu.dma_semaphore, #tpu.memory_space<semaphore_mem>>) src(%arg6 : memref<1000x128xf32, #tpu.memory_space<vmem>>) dst(%dma_wait3A_48 : memref<1000x128xf32, #tpu.memory_space<hbm>>)
      tpu.yield
    }) : () -> ()
    %add3A_33 = arith.constant 4000 : i32
    %add3A_34 = arith.addi %mul3A_2, %add3A_33 : i32
    "tpu.region"() ({
      %run_scoped3A = tpu.sem_alloc : memref<!tpu.dma_semaphore, #tpu.memory_space<semaphore_mem>>
      %dma_start3A_41 = tpu.memref_slice %arg3[%add3A_34] : memref<160000xi32, #tpu.memory_space<hbm>> -> memref<1000xi32, #tpu.memory_space<hbm>>
      %dma_start3A_42 = tpu.memref_slice %arg3[%add3A_34] : memref<160000xi32, #tpu.memory_space<hbm>> -> memref<1000xi32, #tpu.memory_space<hbm>>
      tpu.enqueue_dma source(%dma_start3A_42 : memref<1000xi32, #tpu.memory_space<hbm>>) target(%arg5 : memref<1000xi32, #tpu.memory_space<vmem>>) target_semaphore(%run_scoped3A : memref<!tpu.dma_semaphore, #tpu.memory_space<semaphore_mem>>)
      %dma_wait3A_43 = tpu.memref_slice %arg3[%add3A_34] : memref<160000xi32, #tpu.memory_space<hbm>> -> memref<1000xi32, #tpu.memory_space<hbm>>
      %dma_wait3A_44 = tpu.memref_slice %arg3[%add3A_34] : memref<160000xi32, #tpu.memory_space<hbm>> -> memref<1000xi32, #tpu.memory_space<hbm>>
      tpu.wait_dma2 semaphore(%run_scoped3A : memref<!tpu.dma_semaphore, #tpu.memory_space<semaphore_mem>>) src(%dma_wait3A_44 : memref<1000xi32, #tpu.memory_space<hbm>>) dst(%arg5 : memref<1000xi32, #tpu.memory_space<vmem>>)
      tpu.yield
    }) : () -> ()
    %dma_start3A_35 = arith.constant 0 : i32
    %dma_start3A_36 = arith.constant 0 : i32
    %dma_start3A_37 = tpu.memref_slice %arg2[%dma_start3A_35, %dma_start3A_36] : memref<10000x128xf32, #tpu.memory_space<hbm>> -> memref<10000x128xf32, #tpu.memory_space<hbm>>
    tpu.enqueue_indirect_dma source(%dma_start3A_37 : memref<10000x128xf32, #tpu.memory_space<hbm>>) target(%arg6 : memref<1000x128xf32, #tpu.memory_space<vmem>>) offsets(%arg5 : memref<1000xi32, #tpu.memory_space<vmem>>) semaphore(%arg7 : memref<!tpu.dma_semaphore, #tpu.memory_space<semaphore_mem>>)
    %dma_wait3A_38 = arith.constant 0 : i32
    %dma_wait3A_39 = arith.constant 0 : i32
    %dma_wait3A_40 = tpu.memref_slice %arg2[%dma_wait3A_38, %dma_wait3A_39] : memref<10000x128xf32, #tpu.memory_space<hbm>> -> memref<10000x128xf32, #tpu.memory_space<hbm>>
    tpu.wait_indirect_dma semaphore(%arg7 : memref<!tpu.dma_semaphore, #tpu.memory_space<semaphore_mem>>) src(%dma_wait3A_40 : memref<10000x128xf32, #tpu.memory_space<hbm>>) dst(%arg6 : memref<1000x128xf32, #tpu.memory_space<vmem>>)
    "tpu.region"() ({
      %run_scoped3A = tpu.sem_alloc : memref<!tpu.dma_semaphore, #tpu.memory_space<semaphore_mem>>
      %dma_start3A_41 = arith.constant 0 : i32
      %dma_start3A_42 = tpu.memref_slice %arg4[%add3A_34, %dma_start3A_41] : memref<160000x128xf32, #tpu.memory_space<hbm>> -> memref<1000x128xf32, #tpu.memory_space<hbm>>
      %dma_start3A_43 = arith.constant 0 : i32
      %dma_start3A_44 = tpu.memref_slice %arg4[%add3A_34, %dma_start3A_43] : memref<160000x128xf32, #tpu.memory_space<hbm>> -> memref<1000x128xf32, #tpu.memory_space<hbm>>
      tpu.enqueue_dma source(%arg6 : memref<1000x128xf32, #tpu.memory_space<vmem>>) target(%dma_start3A_44 : memref<1000x128xf32, #tpu.memory_space<hbm>>) target_semaphore(%run_scoped3A : memref<!tpu.dma_semaphore, #tpu.memory_space<semaphore_mem>>)
      %dma_wait3A_45 = arith.constant 0 : i32
      %dma_wait3A_46 = tpu.memref_slice %arg4[%add3A_34, %dma_wait3A_45] : memref<160000x128xf32, #tpu.memory_space<hbm>> -> memref<1000x128xf32, #tpu.memory_space<hbm>>
      %dma_wait3A_47 = arith.constant 0 : i32
      %dma_wait3A_48 = tpu.memref_slice %arg4[%add3A_34, %dma_wait3A_47] : memref<160000x128xf32, #tpu.memory_space<hbm>> -> memref<1000x128xf32, #tpu.memory_space<hbm>>
      tpu.wait_dma2 semaphore(%run_scoped3A : memref<!tpu.dma_semaphore, #tpu.memory_space<semaphore_mem>>) src(%arg6 : memref<1000x128xf32, #tpu.memory_space<vmem>>) dst(%dma_wait3A_48 : memref<1000x128xf32, #tpu.memory_space<hbm>>)
      tpu.yield
    }) : () -> ()
    return
  }
}

#map = affine_map<(d0, d1) -> (0, 0)>
#map1 = affine_map<(d0, d1) -> (0)>
module attributes {stable_mosaic.version = 14 : i64} {
  func.func @k(%arg0: i32, %arg1: i32, %arg2: memref<161000x32xf32, #tpu.memory_space<hbm>>, %arg3: memref<160512xi32, #tpu.memory_space<hbm>>, %arg4: memref<48xi32, #tpu.memory_space<hbm>>, %arg5: memref<10240x32xf32, #tpu.memory_space<hbm>>, %arg6: memref<48xi32, #tpu.memory_space<vmem>>, %arg7: memref<512xi32, #tpu.memory_space<vmem>>, %arg8: memref<512x32xf32, #tpu.memory_space<vmem>>, %arg9: memref<328x32xf32, #tpu.memory_space<vmem>>) attributes {dimension_semantics = [#tpu.dimension_semantics<core_parallel>, #tpu.dimension_semantics<subcore_parallel>], iteration_bounds = array<i64: 2, 16>, scalar_prefetch = 0 : i64, scratch_operands = 4 : i64, tpu.core_type = #tpu.core_type<sc_vector_subcore>, window_params = [{transform_indices = #map}, {transform_indices = #map1}, {transform_indices = #map1}, {transform_indices = #map}]} {
    %mul3A = arith.constant 2 : i32
    %mul3A_0 = arith.muli %arg1, %mul3A : i32
    %add3A = arith.addi %mul3A_0, %arg0 : i32
    %iota3A = tpu.iota {dimensions = array<i32: 0>} : vector<16xi32>
    %broadcast_in_dim3A = arith.constant 0xFF800000 : f32
    %broadcast_in_dim3A_1 = vector.broadcast %broadcast_in_dim3A : f32 to vector<16xf32>
    "tpu.region"() ({
      %run_scoped3A = tpu.sem_alloc : memref<!tpu.dma_semaphore, #tpu.memory_space<semaphore_mem>>
      tpu.enqueue_dma source(%arg4 : memref<48xi32, #tpu.memory_space<hbm>>) target(%arg6 : memref<48xi32, #tpu.memory_space<vmem>>) target_semaphore(%run_scoped3A : memref<!tpu.dma_semaphore, #tpu.memory_space<semaphore_mem>>)
      tpu.wait_dma2 semaphore(%run_scoped3A : memref<!tpu.dma_semaphore, #tpu.memory_space<semaphore_mem>>) src(%arg4 : memref<48xi32, #tpu.memory_space<hbm>>) dst(%arg6 : memref<48xi32, #tpu.memory_space<vmem>>)
      tpu.yield
    }) : () -> ()
    %get3A = arith.index_cast %add3A : i32 to index
    %get3A_2 = tpu.vector_load %arg6[%get3A] {strides = array<i32>} : memref<48xi32, #tpu.memory_space<vmem>>, vector<1xi32>,
    %get3A_3 = vector.shape_cast %get3A_2 : vector<1xi32> to vector<1xi32>
    %add3A_4 = arith.constant 1 : i32
    %add3A_5 = arith.addi %add3A, %add3A_4 : i32
    %get3A_6 = arith.index_cast %add3A_5 : i32 to index
    %get3A_7 = tpu.vector_load %arg6[%get3A_6] {strides = array<i32>} : memref<48xi32, #tpu.memory_space<vmem>>, vector<1xi32>,
    %get3A_8 = vector.shape_cast %get3A_7 : vector<1xi32> to vector<1xi32>
    %squeeze3A = vector.extract %get3A_3[0] : i32 from vector<1xi32>
    %squeeze3A_9 = vector.extract %get3A_8[0] : i32 from vector<1xi32>
    %shift_right_logical3A = arith.constant 3 : i32
    %shift_right_logical3A_10 = arith.shrui %squeeze3A, %shift_right_logical3A : i32
    %mul3A_11 = arith.constant 8 : i32
    %mul3A_12 = arith.muli %shift_right_logical3A_10, %mul3A_11 : i32
    %sub3A = arith.subi %squeeze3A_9, %mul3A_12 : i32
    %mul3A_13 = arith.constant 320 : i32
    %mul3A_14 = arith.muli %add3A, %mul3A_13 : i32
    %scan3A = arith.constant 0 : i32
    %scan3A_15 = arith.constant 0 : i32
    %scan3A_16 = arith.constant 328 : i32
    %scan3A_17 = arith.addi %scan3A_15, %scan3A_16 : i32
    %scan3A_18 = arith.constant 1 : i32
    %scan3A_19 = scf.for %scan3A_36 = %scan3A_15 to %scan3A_17 step %scan3A_18 iter_args(%scan3A_37 = %scan3A) -> (i32)  : i32 {
      %swap3A = arith.index_cast %scan3A_36 : i32 to index
      %swap3A_38 = arith.constant 0 : index
      %swap3A_39 = tpu.vector_load %arg9[%swap3A, %swap3A_38] {strides = array<i32>} : memref<328x32xf32, #tpu.memory_space<vmem>>, vector<1x16xf32>,
      %swap3A_40 = vector.shape_cast %swap3A_39 : vector<1x16xf32> to vector<16xf32>
      %swap3A_41 = vector.shape_cast %broadcast_in_dim3A_1 : vector<16xf32> to vector<1x16xf32>
      tpu.vector_store %arg9[%swap3A, %swap3A_38], %swap3A_41 {strides = array<i32>} : memref<328x32xf32, #tpu.memory_space<vmem>>, vector<1x16xf32>,
      %swap3A_42 = arith.index_cast %scan3A_36 : i32 to index
      %swap3A_43 = arith.constant 16 : index
      %swap3A_44 = tpu.vector_load %arg9[%swap3A_42, %swap3A_43] {strides = array<i32>} : memref<328x32xf32, #tpu.memory_space<vmem>>, vector<1x16xf32>,
      %swap3A_45 = vector.shape_cast %swap3A_44 : vector<1x16xf32> to vector<16xf32>
      %swap3A_46 = vector.shape_cast %broadcast_in_dim3A_1 : vector<16xf32> to vector<1x16xf32>
      tpu.vector_store %arg9[%swap3A_42, %swap3A_43], %swap3A_46 {strides = array<i32>} : memref<328x32xf32, #tpu.memory_space<vmem>>, vector<1x16xf32>,
      %scan3A_47 = arith.constant 0 : i32
      scf.yield %scan3A_47 : i32
    }
    %scan3A_20 = arith.constant 328 : i32
    %add3A_21 = arith.constant 511 : i32
    %add3A_22 = arith.addi %sub3A, %add3A_21 : i32
    %shift_right_logical3A_23 = arith.constant 9 : i32
    %shift_right_logical3A_24 = arith.shrui %add3A_22, %shift_right_logical3A_23 : i32
    %while3A = arith.constant 0 : i32
    %while3A_25 = arith.constant 0 : i32
    %while3A_26 = arith.subi %shift_right_logical3A_24, %while3A : i32
    %while3A_27 = arith.addi %while3A, %while3A_26 : i32
    %while3A_28 = arith.constant 1 : i32
    %while3A_29 = arith.divsi %while3A_26, %while3A_28 : i32
    %while3A_30 = arith.muli %while3A_29, %while3A_28 : i32
    %while3A_31 = arith.addi %while3A, %while3A_30 : i32
    %while3A_32 = arith.constant 1 : i32
    %while3A_33 = scf.for %while3A_36 = %while3A to %while3A_31 step %while3A_32 iter_args(%while3A_37 = %while3A_25) -> (i32)  : i32 {
      %mul3A_38 = arith.constant 512 : i32
      %mul3A_39 = arith.muli %while3A_36, %mul3A_38 : i32
      %add3A_40 = arith.addi %mul3A_12, %mul3A_39 : i32
      "tpu.region"() ({
        %run_scoped3A = tpu.sem_alloc : memref<!tpu.dma_semaphore, #tpu.memory_space<semaphore_mem>>
        %dma_start3A = tpu.memref_slice %arg3[%add3A_40] : memref<160512xi32, #tpu.memory_space<hbm>> -> memref<512xi32, #tpu.memory_space<hbm>>
        %dma_start3A_56 = tpu.memref_slice %arg3[%add3A_40] : memref<160512xi32, #tpu.memory_space<hbm>> -> memref<512xi32, #tpu.memory_space<hbm>>
        tpu.enqueue_dma source(%dma_start3A_56 : memref<512xi32, #tpu.memory_space<hbm>>) target(%arg7 : memref<512xi32, #tpu.memory_space<vmem>>) target_semaphore(%run_scoped3A : memref<!tpu.dma_semaphore, #tpu.memory_space<semaphore_mem>>)
        %dma_wait3A = tpu.memref_slice %arg3[%add3A_40] : memref<160512xi32, #tpu.memory_space<hbm>> -> memref<512xi32, #tpu.memory_space<hbm>>
        %dma_wait3A_57 = tpu.memref_slice %arg3[%add3A_40] : memref<160512xi32, #tpu.memory_space<hbm>> -> memref<512xi32, #tpu.memory_space<hbm>>
        tpu.wait_dma2 semaphore(%run_scoped3A : memref<!tpu.dma_semaphore, #tpu.memory_space<semaphore_mem>>) src(%dma_wait3A_57 : memref<512xi32, #tpu.memory_space<hbm>>) dst(%arg7 : memref<512xi32, #tpu.memory_space<vmem>>)
        tpu.yield
      }) : () -> ()
      %scan3A_41 = arith.constant 0 : i32
      %scan3A_42 = arith.constant 0 : i32
      %scan3A_43 = arith.constant 32 : i32
      %scan3A_44 = arith.addi %scan3A_42, %scan3A_43 : i32
      %scan3A_45 = arith.constant 1 : i32
      %scan3A_46 = scf.for %scan3A_56 = %scan3A_42 to %scan3A_44 step %scan3A_45 iter_args(%scan3A_57 = %scan3A_41) -> (i32)  : i32 {
        %mul3A_58 = arith.constant 16 : i32
        %mul3A_59 = arith.muli %scan3A_56, %mul3A_58 : i32
        %get3A_60 = arith.index_cast %mul3A_59 : i32 to index
        %get3A_61 = tpu.vector_load %arg7[%get3A_60] {strides = array<i32>} : memref<512xi32, #tpu.memory_space<vmem>>, vector<16xi32>,
        %get3A_62 = vector.shape_cast %get3A_61 : vector<16xi32> to vector<16xi32>
        %sub3A_63 = vector.broadcast %mul3A_14 : i32 to vector<16xi32>
        %sub3A_64 = arith.subi %get3A_62, %sub3A_63 : vector<16xi32>
        %jit3A = arith.constant 0 : i32
        %jit3A_65 = arith.constant 319 : i32
        %max3A = vector.broadcast %jit3A : i32 to vector<16xi32>
        %max3A_66 = arith.maxsi %max3A, %sub3A_64 : vector<16xi32>
        %min3A = vector.broadcast %jit3A_65 : i32 to vector<16xi32>
        %min3A_67 = arith.minsi %min3A, %max3A_66 : vector<16xi32>
        %mul3A_68 = arith.constant 16 : i32
        %mul3A_69 = arith.muli %scan3A_56, %mul3A_68 : i32
        %add3A_70 = arith.addi %add3A_40, %mul3A_69 : i32
        %broadcast_in_dim3A_71 = vector.broadcast %add3A_70 : i32 to vector<16xi32>
        %add3A_72 = arith.addi %broadcast_in_dim3A_71, %iota3A : vector<16xi32>
        %ge3A = vector.broadcast %squeeze3A : i32 to vector<16xi32>
        %ge3A_73 = arith.cmpi sge, %add3A_72, %ge3A : vector<16xi32>
        %lt3A = vector.broadcast %squeeze3A_9 : i32 to vector<16xi32>
        %lt3A_74 = arith.cmpi slt, %add3A_72, %lt3A : vector<16xi32>
        %and3A = arith.andi %ge3A_73, %lt3A_74 : vector<16xi1>
        %broadcast_in_dim3A_75 = arith.constant 320 : i32
        %broadcast_in_dim3A_76 = vector.broadcast %broadcast_in_dim3A_75 : i32 to vector<16xi32>
        %select_n3A = arith.select %and3A, %min3A_67, %broadcast_in_dim3A_76 : vector<16xi1>, vector<16xi32>
        %mul3A_77 = arith.constant 16 : i32
        %mul3A_78 = arith.muli %scan3A_56, %mul3A_77 : i32
        %swap3A = arith.index_cast %mul3A_78 : i32 to index
        %swap3A_79 = tpu.vector_load %arg7[%swap3A] {strides = array<i32>} : memref<512xi32, #tpu.memory_space<vmem>>, vector<16xi32>,
        %swap3A_80 = vector.shape_cast %swap3A_79 : vector<16xi32> to vector<16xi32>
        %swap3A_81 = vector.shape_cast %select_n3A : vector<16xi32> to vector<16xi32>
        tpu.vector_store %arg7[%swap3A], %swap3A_81 {strides = array<i32>} : memref<512xi32, #tpu.memory_space<vmem>>, vector<16xi32>,
        %scan3A_82 = arith.constant 0 : i32
        scf.yield %scan3A_82 : i32
      }
      %scan3A_47 = arith.constant 32 : i32
      "tpu.region"() ({
        %run_scoped3A = tpu.sem_alloc : memref<!tpu.dma_semaphore, #tpu.memory_space<semaphore_mem>>
        %dma_start3A = arith.constant 0 : i32
        %dma_start3A_56 = tpu.memref_slice %arg2[%add3A_40, %dma_start3A] : memref<161000x32xf32, #tpu.memory_space<hbm>> -> memref<512x32xf32, #tpu.memory_space<hbm>>
        %dma_start3A_57 = arith.constant 0 : i32
        %dma_start3A_58 = tpu.memref_slice %arg2[%add3A_40, %dma_start3A_57] : memref<161000x32xf32, #tpu.memory_space<hbm>> -> memref<512x32xf32, #tpu.memory_space<hbm>>
        tpu.enqueue_dma source(%dma_start3A_58 : memref<512x32xf32, #tpu.memory_space<hbm>>) target(%arg8 : memref<512x32xf32, #tpu.memory_space<vmem>>) target_semaphore(%run_scoped3A : memref<!tpu.dma_semaphore, #tpu.memory_space<semaphore_mem>>)
        %dma_wait3A = arith.constant 0 : i32
        %dma_wait3A_59 = tpu.memref_slice %arg2[%add3A_40, %dma_wait3A] : memref<161000x32xf32, #tpu.memory_space<hbm>> -> memref<512x32xf32, #tpu.memory_space<hbm>>
        %dma_wait3A_60 = arith.constant 0 : i32
        %dma_wait3A_61 = tpu.memref_slice %arg2[%add3A_40, %dma_wait3A_60] : memref<161000x32xf32, #tpu.memory_space<hbm>> -> memref<512x32xf32, #tpu.memory_space<hbm>>
        tpu.wait_dma2 semaphore(%run_scoped3A : memref<!tpu.dma_semaphore, #tpu.memory_space<semaphore_mem>>) src(%dma_wait3A_61 : memref<512x32xf32, #tpu.memory_space<hbm>>) dst(%arg8 : memref<512x32xf32, #tpu.memory_space<vmem>>)
        tpu.yield
      }) : () -> ()
      %scan3A_48 = arith.constant 0 : i32
      %scan3A_49 = arith.constant 0 : i32
      %scan3A_50 = arith.constant 512 : i32
      %scan3A_51 = arith.addi %scan3A_49, %scan3A_50 : i32
      %scan3A_52 = arith.constant 1 : i32
      %scan3A_53 = scf.for %scan3A_56 = %scan3A_49 to %scan3A_51 step %scan3A_52 iter_args(%scan3A_57 = %scan3A_48) -> (i32)  : i32 {
        %get3A_58 = arith.index_cast %scan3A_56 : i32 to index
        %get3A_59 = tpu.vector_load %arg7[%get3A_58] {strides = array<i32>} : memref<512xi32, #tpu.memory_space<vmem>>, vector<1xi32>,
        %get3A_60 = vector.shape_cast %get3A_59 : vector<1xi32> to vector<1xi32>
        %squeeze3A_61 = vector.extract %get3A_60[0] : i32 from vector<1xi32>
        %get3A_62 = arith.index_cast %scan3A_56 : i32 to index
        %get3A_63 = arith.constant 0 : index
        %get3A_64 = tpu.vector_load %arg8[%get3A_62, %get3A_63] {strides = array<i32>} : memref<512x32xf32, #tpu.memory_space<vmem>>, vector<1x16xf32>,
        %get3A_65 = vector.shape_cast %get3A_64 : vector<1x16xf32> to vector<16xf32>
        %get3A_66 = arith.index_cast %scan3A_56 : i32 to index
        %get3A_67 = arith.constant 16 : index
        %get3A_68 = tpu.vector_load %arg8[%get3A_66, %get3A_67] {strides = array<i32>} : memref<512x32xf32, #tpu.memory_space<vmem>>, vector<1x16xf32>,
        %get3A_69 = vector.shape_cast %get3A_68 : vector<1x16xf32> to vector<16xf32>
        %get3A_70 = arith.index_cast %squeeze3A_61 : i32 to index
        %get3A_71 = arith.constant 0 : index
        %get3A_72 = tpu.vector_load %arg9[%get3A_70, %get3A_71] {strides = array<i32>} : memref<328x32xf32, #tpu.memory_space<vmem>>, vector<1x16xf32>,
        %get3A_73 = vector.shape_cast %get3A_72 : vector<1x16xf32> to vector<16xf32>
        %max3A = arith.maximumf %get3A_73, %get3A_65 : vector<16xf32>
        %swap3A = arith.index_cast %squeeze3A_61 : i32 to index
        %swap3A_74 = arith.constant 0 : index
        %swap3A_75 = tpu.vector_load %arg9[%swap3A, %swap3A_74] {strides = array<i32>} : memref<328x32xf32, #tpu.memory_space<vmem>>, vector<1x16xf32>,
        %swap3A_76 = vector.shape_cast %swap3A_75 : vector<1x16xf32> to vector<16xf32>
        %swap3A_77 = vector.shape_cast %max3A : vector<16xf32> to vector<1x16xf32>
        tpu.vector_store %arg9[%swap3A, %swap3A_74], %swap3A_77 {strides = array<i32>} : memref<328x32xf32, #tpu.memory_space<vmem>>, vector<1x16xf32>,
        %get3A_78 = arith.index_cast %squeeze3A_61 : i32 to index
        %get3A_79 = arith.constant 16 : index
        %get3A_80 = tpu.vector_load %arg9[%get3A_78, %get3A_79] {strides = array<i32>} : memref<328x32xf32, #tpu.memory_space<vmem>>, vector<1x16xf32>,
        %get3A_81 = vector.shape_cast %get3A_80 : vector<1x16xf32> to vector<16xf32>
        %max3A_82 = arith.maximumf %get3A_81, %get3A_69 : vector<16xf32>
        %swap3A_83 = arith.index_cast %squeeze3A_61 : i32 to index
        %swap3A_84 = arith.constant 16 : index
        %swap3A_85 = tpu.vector_load %arg9[%swap3A_83, %swap3A_84] {strides = array<i32>} : memref<328x32xf32, #tpu.memory_space<vmem>>, vector<1x16xf32>,
        %swap3A_86 = vector.shape_cast %swap3A_85 : vector<1x16xf32> to vector<16xf32>
        %swap3A_87 = vector.shape_cast %max3A_82 : vector<16xf32> to vector<1x16xf32>
        tpu.vector_store %arg9[%swap3A_83, %swap3A_84], %swap3A_87 {strides = array<i32>} : memref<328x32xf32, #tpu.memory_space<vmem>>, vector<1x16xf32>,
        %scan3A_88 = arith.constant 0 : i32
        scf.yield %scan3A_88 : i32
      }
      %scan3A_54 = arith.constant 512 : i32
      %while3A_55 = arith.constant 0 : i32
      scf.yield %while3A_55 : i32
    }
    %while3A_34 = arith.constant 1 : i32
    %while3A_35 = scf.for %while3A_36 = %while3A_31 to %while3A_27 step %while3A_34 iter_args(%while3A_37 = %while3A_33) -> (i32)  : i32 {
      %mul3A_38 = arith.constant 512 : i32
      %mul3A_39 = arith.muli %while3A_36, %mul3A_38 : i32
      %add3A_40 = arith.addi %mul3A_12, %mul3A_39 : i32
      "tpu.region"() ({
        %run_scoped3A = tpu.sem_alloc : memref<!tpu.dma_semaphore, #tpu.memory_space<semaphore_mem>>
        %dma_start3A = tpu.memref_slice %arg3[%add3A_40] : memref<160512xi32, #tpu.memory_space<hbm>> -> memref<512xi32, #tpu.memory_space<hbm>>
        %dma_start3A_56 = tpu.memref_slice %arg3[%add3A_40] : memref<160512xi32, #tpu.memory_space<hbm>> -> memref<512xi32, #tpu.memory_space<hbm>>
        tpu.enqueue_dma source(%dma_start3A_56 : memref<512xi32, #tpu.memory_space<hbm>>) target(%arg7 : memref<512xi32, #tpu.memory_space<vmem>>) target_semaphore(%run_scoped3A : memref<!tpu.dma_semaphore, #tpu.memory_space<semaphore_mem>>)
        %dma_wait3A = tpu.memref_slice %arg3[%add3A_40] : memref<160512xi32, #tpu.memory_space<hbm>> -> memref<512xi32, #tpu.memory_space<hbm>>
        %dma_wait3A_57 = tpu.memref_slice %arg3[%add3A_40] : memref<160512xi32, #tpu.memory_space<hbm>> -> memref<512xi32, #tpu.memory_space<hbm>>
        tpu.wait_dma2 semaphore(%run_scoped3A : memref<!tpu.dma_semaphore, #tpu.memory_space<semaphore_mem>>) src(%dma_wait3A_57 : memref<512xi32, #tpu.memory_space<hbm>>) dst(%arg7 : memref<512xi32, #tpu.memory_space<vmem>>)
        tpu.yield
      }) : () -> ()
      %scan3A_41 = arith.constant 0 : i32
      %scan3A_42 = arith.constant 0 : i32
      %scan3A_43 = arith.constant 32 : i32
      %scan3A_44 = arith.addi %scan3A_42, %scan3A_43 : i32
      %scan3A_45 = arith.constant 1 : i32
      %scan3A_46 = scf.for %scan3A_56 = %scan3A_42 to %scan3A_44 step %scan3A_45 iter_args(%scan3A_57 = %scan3A_41) -> (i32)  : i32 {
        %mul3A_58 = arith.constant 16 : i32
        %mul3A_59 = arith.muli %scan3A_56, %mul3A_58 : i32
        %get3A_60 = arith.index_cast %mul3A_59 : i32 to index
        %get3A_61 = tpu.vector_load %arg7[%get3A_60] {strides = array<i32>} : memref<512xi32, #tpu.memory_space<vmem>>, vector<16xi32>,
        %get3A_62 = vector.shape_cast %get3A_61 : vector<16xi32> to vector<16xi32>
        %sub3A_63 = vector.broadcast %mul3A_14 : i32 to vector<16xi32>
        %sub3A_64 = arith.subi %get3A_62, %sub3A_63 : vector<16xi32>
        %jit3A = arith.constant 0 : i32
        %jit3A_65 = arith.constant 319 : i32
        %max3A = vector.broadcast %jit3A : i32 to vector<16xi32>
        %max3A_66 = arith.maxsi %max3A, %sub3A_64 : vector<16xi32>
        %min3A = vector.broadcast %jit3A_65 : i32 to vector<16xi32>
        %min3A_67 = arith.minsi %min3A, %max3A_66 : vector<16xi32>
        %mul3A_68 = arith.constant 16 : i32
        %mul3A_69 = arith.muli %scan3A_56, %mul3A_68 : i32
        %add3A_70 = arith.addi %add3A_40, %mul3A_69 : i32
        %broadcast_in_dim3A_71 = vector.broadcast %add3A_70 : i32 to vector<16xi32>
        %add3A_72 = arith.addi %broadcast_in_dim3A_71, %iota3A : vector<16xi32>
        %ge3A = vector.broadcast %squeeze3A : i32 to vector<16xi32>
        %ge3A_73 = arith.cmpi sge, %add3A_72, %ge3A : vector<16xi32>
        %lt3A = vector.broadcast %squeeze3A_9 : i32 to vector<16xi32>
        %lt3A_74 = arith.cmpi slt, %add3A_72, %lt3A : vector<16xi32>
        %and3A = arith.andi %ge3A_73, %lt3A_74 : vector<16xi1>
        %broadcast_in_dim3A_75 = arith.constant 320 : i32
        %broadcast_in_dim3A_76 = vector.broadcast %broadcast_in_dim3A_75 : i32 to vector<16xi32>
        %select_n3A = arith.select %and3A, %min3A_67, %broadcast_in_dim3A_76 : vector<16xi1>, vector<16xi32>
        %mul3A_77 = arith.constant 16 : i32
        %mul3A_78 = arith.muli %scan3A_56, %mul3A_77 : i32
        %swap3A = arith.index_cast %mul3A_78 : i32 to index
        %swap3A_79 = tpu.vector_load %arg7[%swap3A] {strides = array<i32>} : memref<512xi32, #tpu.memory_space<vmem>>, vector<16xi32>,
        %swap3A_80 = vector.shape_cast %swap3A_79 : vector<16xi32> to vector<16xi32>
        %swap3A_81 = vector.shape_cast %select_n3A : vector<16xi32> to vector<16xi32>
        tpu.vector_store %arg7[%swap3A], %swap3A_81 {strides = array<i32>} : memref<512xi32, #tpu.memory_space<vmem>>, vector<16xi32>,
        %scan3A_82 = arith.constant 0 : i32
        scf.yield %scan3A_82 : i32
      }
      %scan3A_47 = arith.constant 32 : i32
      "tpu.region"() ({
        %run_scoped3A = tpu.sem_alloc : memref<!tpu.dma_semaphore, #tpu.memory_space<semaphore_mem>>
        %dma_start3A = arith.constant 0 : i32
        %dma_start3A_56 = tpu.memref_slice %arg2[%add3A_40, %dma_start3A] : memref<161000x32xf32, #tpu.memory_space<hbm>> -> memref<512x32xf32, #tpu.memory_space<hbm>>
        %dma_start3A_57 = arith.constant 0 : i32
        %dma_start3A_58 = tpu.memref_slice %arg2[%add3A_40, %dma_start3A_57] : memref<161000x32xf32, #tpu.memory_space<hbm>> -> memref<512x32xf32, #tpu.memory_space<hbm>>
        tpu.enqueue_dma source(%dma_start3A_58 : memref<512x32xf32, #tpu.memory_space<hbm>>) target(%arg8 : memref<512x32xf32, #tpu.memory_space<vmem>>) target_semaphore(%run_scoped3A : memref<!tpu.dma_semaphore, #tpu.memory_space<semaphore_mem>>)
        %dma_wait3A = arith.constant 0 : i32
        %dma_wait3A_59 = tpu.memref_slice %arg2[%add3A_40, %dma_wait3A] : memref<161000x32xf32, #tpu.memory_space<hbm>> -> memref<512x32xf32, #tpu.memory_space<hbm>>
        %dma_wait3A_60 = arith.constant 0 : i32
        %dma_wait3A_61 = tpu.memref_slice %arg2[%add3A_40, %dma_wait3A_60] : memref<161000x32xf32, #tpu.memory_space<hbm>> -> memref<512x32xf32, #tpu.memory_space<hbm>>
        tpu.wait_dma2 semaphore(%run_scoped3A : memref<!tpu.dma_semaphore, #tpu.memory_space<semaphore_mem>>) src(%dma_wait3A_61 : memref<512x32xf32, #tpu.memory_space<hbm>>) dst(%arg8 : memref<512x32xf32, #tpu.memory_space<vmem>>)
        tpu.yield
      }) : () -> ()
      %scan3A_48 = arith.constant 0 : i32
      %scan3A_49 = arith.constant 0 : i32
      %scan3A_50 = arith.constant 512 : i32
      %scan3A_51 = arith.addi %scan3A_49, %scan3A_50 : i32
      %scan3A_52 = arith.constant 1 : i32
      %scan3A_53 = scf.for %scan3A_56 = %scan3A_49 to %scan3A_51 step %scan3A_52 iter_args(%scan3A_57 = %scan3A_48) -> (i32)  : i32 {
        %get3A_58 = arith.index_cast %scan3A_56 : i32 to index
        %get3A_59 = tpu.vector_load %arg7[%get3A_58] {strides = array<i32>} : memref<512xi32, #tpu.memory_space<vmem>>, vector<1xi32>,
        %get3A_60 = vector.shape_cast %get3A_59 : vector<1xi32> to vector<1xi32>
        %squeeze3A_61 = vector.extract %get3A_60[0] : i32 from vector<1xi32>
        %get3A_62 = arith.index_cast %scan3A_56 : i32 to index
        %get3A_63 = arith.constant 0 : index
        %get3A_64 = tpu.vector_load %arg8[%get3A_62, %get3A_63] {strides = array<i32>} : memref<512x32xf32, #tpu.memory_space<vmem>>, vector<1x16xf32>,
        %get3A_65 = vector.shape_cast %get3A_64 : vector<1x16xf32> to vector<16xf32>
        %get3A_66 = arith.index_cast %scan3A_56 : i32 to index
        %get3A_67 = arith.constant 16 : index
        %get3A_68 = tpu.vector_load %arg8[%get3A_66, %get3A_67] {strides = array<i32>} : memref<512x32xf32, #tpu.memory_space<vmem>>, vector<1x16xf32>,
        %get3A_69 = vector.shape_cast %get3A_68 : vector<1x16xf32> to vector<16xf32>
        %get3A_70 = arith.index_cast %squeeze3A_61 : i32 to index
        %get3A_71 = arith.constant 0 : index
        %get3A_72 = tpu.vector_load %arg9[%get3A_70, %get3A_71] {strides = array<i32>} : memref<328x32xf32, #tpu.memory_space<vmem>>, vector<1x16xf32>,
        %get3A_73 = vector.shape_cast %get3A_72 : vector<1x16xf32> to vector<16xf32>
        %max3A = arith.maximumf %get3A_73, %get3A_65 : vector<16xf32>
        %swap3A = arith.index_cast %squeeze3A_61 : i32 to index
        %swap3A_74 = arith.constant 0 : index
        %swap3A_75 = tpu.vector_load %arg9[%swap3A, %swap3A_74] {strides = array<i32>} : memref<328x32xf32, #tpu.memory_space<vmem>>, vector<1x16xf32>,
        %swap3A_76 = vector.shape_cast %swap3A_75 : vector<1x16xf32> to vector<16xf32>
        %swap3A_77 = vector.shape_cast %max3A : vector<16xf32> to vector<1x16xf32>
        tpu.vector_store %arg9[%swap3A, %swap3A_74], %swap3A_77 {strides = array<i32>} : memref<328x32xf32, #tpu.memory_space<vmem>>, vector<1x16xf32>,
        %get3A_78 = arith.index_cast %squeeze3A_61 : i32 to index
        %get3A_79 = arith.constant 16 : index
        %get3A_80 = tpu.vector_load %arg9[%get3A_78, %get3A_79] {strides = array<i32>} : memref<328x32xf32, #tpu.memory_space<vmem>>, vector<1x16xf32>,
        %get3A_81 = vector.shape_cast %get3A_80 : vector<1x16xf32> to vector<16xf32>
        %max3A_82 = arith.maximumf %get3A_81, %get3A_69 : vector<16xf32>
        %swap3A_83 = arith.index_cast %squeeze3A_61 : i32 to index
        %swap3A_84 = arith.constant 16 : index
        %swap3A_85 = tpu.vector_load %arg9[%swap3A_83, %swap3A_84] {strides = array<i32>} : memref<328x32xf32, #tpu.memory_space<vmem>>, vector<1x16xf32>,
        %swap3A_86 = vector.shape_cast %swap3A_85 : vector<1x16xf32> to vector<16xf32>
        %swap3A_87 = vector.shape_cast %max3A_82 : vector<16xf32> to vector<1x16xf32>
        tpu.vector_store %arg9[%swap3A_83, %swap3A_84], %swap3A_87 {strides = array<i32>} : memref<328x32xf32, #tpu.memory_space<vmem>>, vector<1x16xf32>,
        %scan3A_88 = arith.constant 0 : i32
        scf.yield %scan3A_88 : i32
      }
      %scan3A_54 = arith.constant 512 : i32
      %while3A_55 = arith.constant 0 : i32
      scf.yield %while3A_55 : i32
    }
    "tpu.region"() ({
      %run_scoped3A = tpu.sem_alloc : memref<!tpu.dma_semaphore, #tpu.memory_space<semaphore_mem>>
      %dma_start3A = arith.constant 0 : i32
      %dma_start3A_36 = arith.constant 0 : i32
      %dma_start3A_37 = tpu.memref_slice %arg9[%dma_start3A, %dma_start3A_36] : memref<328x32xf32, #tpu.memory_space<vmem>> -> memref<320x32xf32, #tpu.memory_space<vmem>>
      %dma_start3A_38 = arith.constant 0 : i32
      %dma_start3A_39 = tpu.memref_slice %arg5[%mul3A_14, %dma_start3A_38] : memref<10240x32xf32, #tpu.memory_space<hbm>> -> memref<320x32xf32, #tpu.memory_space<hbm>>
      %dma_start3A_40 = arith.constant 0 : i32
      %dma_start3A_41 = tpu.memref_slice %arg5[%mul3A_14, %dma_start3A_40] : memref<10240x32xf32, #tpu.memory_space<hbm>> -> memref<320x32xf32, #tpu.memory_space<hbm>>
      %dma_start3A_42 = arith.constant 0 : i32
      %dma_start3A_43 = arith.constant 0 : i32
      %dma_start3A_44 = tpu.memref_slice %arg9[%dma_start3A_42, %dma_start3A_43] : memref<328x32xf32, #tpu.memory_space<vmem>> -> memref<320x32xf32, #tpu.memory_space<vmem>>
      tpu.enqueue_dma source(%dma_start3A_44 : memref<320x32xf32, #tpu.memory_space<vmem>>) target(%dma_start3A_41 : memref<320x32xf32, #tpu.memory_space<hbm>>) target_semaphore(%run_scoped3A : memref<!tpu.dma_semaphore, #tpu.memory_space<semaphore_mem>>)
      %dma_wait3A = arith.constant 0 : i32
      %dma_wait3A_45 = arith.constant 0 : i32
      %dma_wait3A_46 = tpu.memref_slice %arg9[%dma_wait3A, %dma_wait3A_45] : memref<328x32xf32, #tpu.memory_space<vmem>> -> memref<320x32xf32, #tpu.memory_space<vmem>>
      %dma_wait3A_47 = arith.constant 0 : i32
      %dma_wait3A_48 = tpu.memref_slice %arg5[%mul3A_14, %dma_wait3A_47] : memref<10240x32xf32, #tpu.memory_space<hbm>> -> memref<320x32xf32, #tpu.memory_space<hbm>>
      %dma_wait3A_49 = arith.constant 0 : i32
      %dma_wait3A_50 = tpu.memref_slice %arg5[%mul3A_14, %dma_wait3A_49] : memref<10240x32xf32, #tpu.memory_space<hbm>> -> memref<320x32xf32, #tpu.memory_space<hbm>>
      %dma_wait3A_51 = arith.constant 0 : i32
      %dma_wait3A_52 = arith.constant 0 : i32
      %dma_wait3A_53 = tpu.memref_slice %arg9[%dma_wait3A_51, %dma_wait3A_52] : memref<328x32xf32, #tpu.memory_space<vmem>> -> memref<320x32xf32, #tpu.memory_space<vmem>>
      tpu.wait_dma2 semaphore(%run_scoped3A : memref<!tpu.dma_semaphore, #tpu.memory_space<semaphore_mem>>) src(%dma_wait3A_53 : memref<320x32xf32, #tpu.memory_space<vmem>>) dst(%dma_wait3A_50 : memref<320x32xf32, #tpu.memory_space<hbm>>)
      tpu.yield
    }) : () -> ()
    return
  }
}

module attributes {stable_mosaic.version = 14 : i64} {
  func.func @_msg_body(%arg0: i32, %arg1: memref<1000x1xf32, #tpu.memory_space<vmem>>, %arg2: memref<1000x128xf32, #tpu.memory_space<vmem>>, %arg3: memref<1x25xf32, #tpu.memory_space<vmem>>, %arg4: memref<1x25xf32, #tpu.memory_space<vmem>>, %arg5: memref<128x832xf32, #tpu.memory_space<vmem>>, %arg6: memref<1000x32xf32, #tpu.memory_space<vmem>>) attributes {dimension_semantics = [#tpu.dimension_semantics<arbitrary>], iteration_bounds = array<i64: 161>, scalar_prefetch = 0 : i64, scratch_operands = 0 : i64, tpu.core_type = #tpu.core_type<tc>, window_params = [{transform_indices = @transform_0, window_bounds = array<i64: 1000, 1>}, {transform_indices = @transform_1, window_bounds = array<i64: 1000, 128>}, {pipeline_mode = #tpu.pipeline_mode<synchronous>, transform_indices = @transform_2, window_bounds = array<i64: 1, 25>}, {pipeline_mode = #tpu.pipeline_mode<synchronous>, transform_indices = @transform_3, window_bounds = array<i64: 1, 25>}, {pipeline_mode = #tpu.pipeline_mode<synchronous>, transform_indices = @transform_4, window_bounds = array<i64: 128, 832>}, {transform_indices = @transform_5, window_bounds = array<i64: 1000, 32>}]} {
    %get3A = arith.constant 0 : index
    %get3A_0 = arith.constant 0 : index
    %get3A_1 = vector.load %arg1[%get3A, %get3A_0] : memref<1000x1xf32, #tpu.memory_space<vmem>>, vector<1000x1xf32>
    %get3A_2 = arith.constant 0 : index
    %get3A_3 = arith.constant 0 : index
    %get3A_4 = vector.load %arg3[%get3A_2, %get3A_3] : memref<1x25xf32, #tpu.memory_space<vmem>>, vector<1x25xf32>
    %mul3A = vector.broadcast %get3A_1 : vector<1000x1xf32> to vector<1000x25xf32>
    %mul3A_5 = vector.broadcast %get3A_4 : vector<1x25xf32> to vector<1000x25xf32>
    %mul3A_6 = arith.mulf %mul3A, %mul3A_5 : vector<1000x25xf32>
    %get3A_7 = arith.constant 0 : index
    %get3A_8 = arith.constant 0 : index
    %get3A_9 = vector.load %arg4[%get3A_7, %get3A_8] : memref<1x25xf32, #tpu.memory_space<vmem>>, vector<1x25xf32>
    %add3A = vector.broadcast %get3A_9 : vector<1x25xf32> to vector<1000x25xf32>
    %add3A_10 = arith.addf %mul3A_6, %add3A : vector<1000x25xf32>
    %max3A = arith.constant 0.000000e+00 : f32
    %max3A_11 = vector.broadcast %max3A : f32 to vector<1000x25xf32>
    %max3A_12 = arith.maximumf %add3A_10, %max3A_11 : vector<1000x25xf32>
    %get3A_13 = arith.constant 0 : index
    %get3A_14 = arith.constant 0 : index
    %get3A_15 = vector.load %arg2[%get3A_13, %get3A_14] : memref<1000x128xf32, #tpu.memory_space<vmem>>, vector<1000x128xf32>
    %get3A_16 = arith.constant 0 : index
    %get3A_17 = arith.constant 0 : index
    %get3A_18 = vector.load %arg5[%get3A_16, %get3A_17] : memref<128x832xf32, #tpu.memory_space<vmem>>, vector<128x832xf32>
    %dot_general3A = arith.constant dense<0.000000e+00> : vector<1000x832xf32>
    %dot_general3A_19 = tpu.matmul %get3A_15, %get3A_18, %dot_general3A {dimension_numbers = #tpu.dot_dimension_numbers<[1], [0], [0], [1], [0, 0, 1, 1], [], []>, transpose_lhs_hint = false} : vector<1000x128xf32>, vector<128x832xf32>, vector<1000x832xf32> -> vector<1000x832xf32>
    %slice3A = vector.extract_strided_slice %dot_general3A_19 {offsets = [0, 800], sizes = [1000, 32], strides = [1, 1]} : vector<1000x832xf32> to vector<1000x32xf32>
    %slice3A_20 = vector.extract_strided_slice %max3A_12 {offsets = [0, 0], sizes = [1000, 1], strides = [1, 1]} : vector<1000x25xf32> to vector<1000x1xf32>
    %slice3A_21 = vector.extract_strided_slice %dot_general3A_19 {offsets = [0, 0], sizes = [1000, 32], strides = [1, 1]} : vector<1000x832xf32> to vector<1000x32xf32>
    %mul3A_22 = vector.broadcast %slice3A_20 : vector<1000x1xf32> to vector<1000x32xf32>
    %mul3A_23 = arith.mulf %mul3A_22, %slice3A_21 : vector<1000x32xf32>
    %add3A_24 = arith.addf %slice3A, %mul3A_23 : vector<1000x32xf32>
    %slice3A_25 = vector.extract_strided_slice %max3A_12 {offsets = [0, 1], sizes = [1000, 1], strides = [1, 1]} : vector<1000x25xf32> to vector<1000x1xf32>
    %slice3A_26 = vector.extract_strided_slice %dot_general3A_19 {offsets = [0, 32], sizes = [1000, 32], strides = [1, 1]} : vector<1000x832xf32> to vector<1000x32xf32>
    %mul3A_27 = vector.broadcast %slice3A_25 : vector<1000x1xf32> to vector<1000x32xf32>
    %mul3A_28 = arith.mulf %mul3A_27, %slice3A_26 : vector<1000x32xf32>
    %add3A_29 = arith.addf %add3A_24, %mul3A_28 : vector<1000x32xf32>
    %slice3A_30 = vector.extract_strided_slice %max3A_12 {offsets = [0, 2], sizes = [1000, 1], strides = [1, 1]} : vector<1000x25xf32> to vector<1000x1xf32>
    %slice3A_31 = vector.extract_strided_slice %dot_general3A_19 {offsets = [0, 64], sizes = [1000, 32], strides = [1, 1]} : vector<1000x832xf32> to vector<1000x32xf32>
    %mul3A_32 = vector.broadcast %slice3A_30 : vector<1000x1xf32> to vector<1000x32xf32>
    %mul3A_33 = arith.mulf %mul3A_32, %slice3A_31 : vector<1000x32xf32>
    %add3A_34 = arith.addf %add3A_29, %mul3A_33 : vector<1000x32xf32>
    %slice3A_35 = vector.extract_strided_slice %max3A_12 {offsets = [0, 3], sizes = [1000, 1], strides = [1, 1]} : vector<1000x25xf32> to vector<1000x1xf32>
    %slice3A_36 = vector.extract_strided_slice %dot_general3A_19 {offsets = [0, 96], sizes = [1000, 32], strides = [1, 1]} : vector<1000x832xf32> to vector<1000x32xf32>
    %mul3A_37 = vector.broadcast %slice3A_35 : vector<1000x1xf32> to vector<1000x32xf32>
    %mul3A_38 = arith.mulf %mul3A_37, %slice3A_36 : vector<1000x32xf32>
    %add3A_39 = arith.addf %add3A_34, %mul3A_38 : vector<1000x32xf32>
    %slice3A_40 = vector.extract_strided_slice %max3A_12 {offsets = [0, 4], sizes = [1000, 1], strides = [1, 1]} : vector<1000x25xf32> to vector<1000x1xf32>
    %slice3A_41 = vector.extract_strided_slice %dot_general3A_19 {offsets = [0, 128], sizes = [1000, 32], strides = [1, 1]} : vector<1000x832xf32> to vector<1000x32xf32>
    %mul3A_42 = vector.broadcast %slice3A_40 : vector<1000x1xf32> to vector<1000x32xf32>
    %mul3A_43 = arith.mulf %mul3A_42, %slice3A_41 : vector<1000x32xf32>
    %add3A_44 = arith.addf %add3A_39, %mul3A_43 : vector<1000x32xf32>
    %slice3A_45 = vector.extract_strided_slice %max3A_12 {offsets = [0, 5], sizes = [1000, 1], strides = [1, 1]} : vector<1000x25xf32> to vector<1000x1xf32>
    %slice3A_46 = vector.extract_strided_slice %dot_general3A_19 {offsets = [0, 160], sizes = [1000, 32], strides = [1, 1]} : vector<1000x832xf32> to vector<1000x32xf32>
    %mul3A_47 = vector.broadcast %slice3A_45 : vector<1000x1xf32> to vector<1000x32xf32>
    %mul3A_48 = arith.mulf %mul3A_47, %slice3A_46 : vector<1000x32xf32>
    %add3A_49 = arith.addf %add3A_44, %mul3A_48 : vector<1000x32xf32>
    %slice3A_50 = vector.extract_strided_slice %max3A_12 {offsets = [0, 6], sizes = [1000, 1], strides = [1, 1]} : vector<1000x25xf32> to vector<1000x1xf32>
    %slice3A_51 = vector.extract_strided_slice %dot_general3A_19 {offsets = [0, 192], sizes = [1000, 32], strides = [1, 1]} : vector<1000x832xf32> to vector<1000x32xf32>
    %mul3A_52 = vector.broadcast %slice3A_50 : vector<1000x1xf32> to vector<1000x32xf32>
    %mul3A_53 = arith.mulf %mul3A_52, %slice3A_51 : vector<1000x32xf32>
    %add3A_54 = arith.addf %add3A_49, %mul3A_53 : vector<1000x32xf32>
    %slice3A_55 = vector.extract_strided_slice %max3A_12 {offsets = [0, 7], sizes = [1000, 1], strides = [1, 1]} : vector<1000x25xf32> to vector<1000x1xf32>
    %slice3A_56 = vector.extract_strided_slice %dot_general3A_19 {offsets = [0, 224], sizes = [1000, 32], strides = [1, 1]} : vector<1000x832xf32> to vector<1000x32xf32>
    %mul3A_57 = vector.broadcast %slice3A_55 : vector<1000x1xf32> to vector<1000x32xf32>
    %mul3A_58 = arith.mulf %mul3A_57, %slice3A_56 : vector<1000x32xf32>
    %add3A_59 = arith.addf %add3A_54, %mul3A_58 : vector<1000x32xf32>
    %slice3A_60 = vector.extract_strided_slice %max3A_12 {offsets = [0, 8], sizes = [1000, 1], strides = [1, 1]} : vector<1000x25xf32> to vector<1000x1xf32>
    %slice3A_61 = vector.extract_strided_slice %dot_general3A_19 {offsets = [0, 256], sizes = [1000, 32], strides = [1, 1]} : vector<1000x832xf32> to vector<1000x32xf32>
    %mul3A_62 = vector.broadcast %slice3A_60 : vector<1000x1xf32> to vector<1000x32xf32>
    %mul3A_63 = arith.mulf %mul3A_62, %slice3A_61 : vector<1000x32xf32>
    %add3A_64 = arith.addf %add3A_59, %mul3A_63 : vector<1000x32xf32>
    %slice3A_65 = vector.extract_strided_slice %max3A_12 {offsets = [0, 9], sizes = [1000, 1], strides = [1, 1]} : vector<1000x25xf32> to vector<1000x1xf32>
    %slice3A_66 = vector.extract_strided_slice %dot_general3A_19 {offsets = [0, 288], sizes = [1000, 32], strides = [1, 1]} : vector<1000x832xf32> to vector<1000x32xf32>
    %mul3A_67 = vector.broadcast %slice3A_65 : vector<1000x1xf32> to vector<1000x32xf32>
    %mul3A_68 = arith.mulf %mul3A_67, %slice3A_66 : vector<1000x32xf32>
    %add3A_69 = arith.addf %add3A_64, %mul3A_68 : vector<1000x32xf32>
    %slice3A_70 = vector.extract_strided_slice %max3A_12 {offsets = [0, 10], sizes = [1000, 1], strides = [1, 1]} : vector<1000x25xf32> to vector<1000x1xf32>
    %slice3A_71 = vector.extract_strided_slice %dot_general3A_19 {offsets = [0, 320], sizes = [1000, 32], strides = [1, 1]} : vector<1000x832xf32> to vector<1000x32xf32>
    %mul3A_72 = vector.broadcast %slice3A_70 : vector<1000x1xf32> to vector<1000x32xf32>
    %mul3A_73 = arith.mulf %mul3A_72, %slice3A_71 : vector<1000x32xf32>
    %add3A_74 = arith.addf %add3A_69, %mul3A_73 : vector<1000x32xf32>
    %slice3A_75 = vector.extract_strided_slice %max3A_12 {offsets = [0, 11], sizes = [1000, 1], strides = [1, 1]} : vector<1000x25xf32> to vector<1000x1xf32>
    %slice3A_76 = vector.extract_strided_slice %dot_general3A_19 {offsets = [0, 352], sizes = [1000, 32], strides = [1, 1]} : vector<1000x832xf32> to vector<1000x32xf32>
    %mul3A_77 = vector.broadcast %slice3A_75 : vector<1000x1xf32> to vector<1000x32xf32>
    %mul3A_78 = arith.mulf %mul3A_77, %slice3A_76 : vector<1000x32xf32>
    %add3A_79 = arith.addf %add3A_74, %mul3A_78 : vector<1000x32xf32>
    %slice3A_80 = vector.extract_strided_slice %max3A_12 {offsets = [0, 12], sizes = [1000, 1], strides = [1, 1]} : vector<1000x25xf32> to vector<1000x1xf32>
    %slice3A_81 = vector.extract_strided_slice %dot_general3A_19 {offsets = [0, 384], sizes = [1000, 32], strides = [1, 1]} : vector<1000x832xf32> to vector<1000x32xf32>
    %mul3A_82 = vector.broadcast %slice3A_80 : vector<1000x1xf32> to vector<1000x32xf32>
    %mul3A_83 = arith.mulf %mul3A_82, %slice3A_81 : vector<1000x32xf32>
    %add3A_84 = arith.addf %add3A_79, %mul3A_83 : vector<1000x32xf32>
    %slice3A_85 = vector.extract_strided_slice %max3A_12 {offsets = [0, 13], sizes = [1000, 1], strides = [1, 1]} : vector<1000x25xf32> to vector<1000x1xf32>
    %slice3A_86 = vector.extract_strided_slice %dot_general3A_19 {offsets = [0, 416], sizes = [1000, 32], strides = [1, 1]} : vector<1000x832xf32> to vector<1000x32xf32>
    %mul3A_87 = vector.broadcast %slice3A_85 : vector<1000x1xf32> to vector<1000x32xf32>
    %mul3A_88 = arith.mulf %mul3A_87, %slice3A_86 : vector<1000x32xf32>
    %add3A_89 = arith.addf %add3A_84, %mul3A_88 : vector<1000x32xf32>
    %slice3A_90 = vector.extract_strided_slice %max3A_12 {offsets = [0, 14], sizes = [1000, 1], strides = [1, 1]} : vector<1000x25xf32> to vector<1000x1xf32>
    %slice3A_91 = vector.extract_strided_slice %dot_general3A_19 {offsets = [0, 448], sizes = [1000, 32], strides = [1, 1]} : vector<1000x832xf32> to vector<1000x32xf32>
    %mul3A_92 = vector.broadcast %slice3A_90 : vector<1000x1xf32> to vector<1000x32xf32>
    %mul3A_93 = arith.mulf %mul3A_92, %slice3A_91 : vector<1000x32xf32>
    %add3A_94 = arith.addf %add3A_89, %mul3A_93 : vector<1000x32xf32>
    %slice3A_95 = vector.extract_strided_slice %max3A_12 {offsets = [0, 15], sizes = [1000, 1], strides = [1, 1]} : vector<1000x25xf32> to vector<1000x1xf32>
    %slice3A_96 = vector.extract_strided_slice %dot_general3A_19 {offsets = [0, 480], sizes = [1000, 32], strides = [1, 1]} : vector<1000x832xf32> to vector<1000x32xf32>
    %mul3A_97 = vector.broadcast %slice3A_95 : vector<1000x1xf32> to vector<1000x32xf32>
    %mul3A_98 = arith.mulf %mul3A_97, %slice3A_96 : vector<1000x32xf32>
    %add3A_99 = arith.addf %add3A_94, %mul3A_98 : vector<1000x32xf32>
    %slice3A_100 = vector.extract_strided_slice %max3A_12 {offsets = [0, 16], sizes = [1000, 1], strides = [1, 1]} : vector<1000x25xf32> to vector<1000x1xf32>
    %slice3A_101 = vector.extract_strided_slice %dot_general3A_19 {offsets = [0, 512], sizes = [1000, 32], strides = [1, 1]} : vector<1000x832xf32> to vector<1000x32xf32>
    %mul3A_102 = vector.broadcast %slice3A_100 : vector<1000x1xf32> to vector<1000x32xf32>
    %mul3A_103 = arith.mulf %mul3A_102, %slice3A_101 : vector<1000x32xf32>
    %add3A_104 = arith.addf %add3A_99, %mul3A_103 : vector<1000x32xf32>
    %slice3A_105 = vector.extract_strided_slice %max3A_12 {offsets = [0, 17], sizes = [1000, 1], strides = [1, 1]} : vector<1000x25xf32> to vector<1000x1xf32>
    %slice3A_106 = vector.extract_strided_slice %dot_general3A_19 {offsets = [0, 544], sizes = [1000, 32], strides = [1, 1]} : vector<1000x832xf32> to vector<1000x32xf32>
    %mul3A_107 = vector.broadcast %slice3A_105 : vector<1000x1xf32> to vector<1000x32xf32>
    %mul3A_108 = arith.mulf %mul3A_107, %slice3A_106 : vector<1000x32xf32>
    %add3A_109 = arith.addf %add3A_104, %mul3A_108 : vector<1000x32xf32>
    %slice3A_110 = vector.extract_strided_slice %max3A_12 {offsets = [0, 18], sizes = [1000, 1], strides = [1, 1]} : vector<1000x25xf32> to vector<1000x1xf32>
    %slice3A_111 = vector.extract_strided_slice %dot_general3A_19 {offsets = [0, 576], sizes = [1000, 32], strides = [1, 1]} : vector<1000x832xf32> to vector<1000x32xf32>
    %mul3A_112 = vector.broadcast %slice3A_110 : vector<1000x1xf32> to vector<1000x32xf32>
    %mul3A_113 = arith.mulf %mul3A_112, %slice3A_111 : vector<1000x32xf32>
    %add3A_114 = arith.addf %add3A_109, %mul3A_113 : vector<1000x32xf32>
    %slice3A_115 = vector.extract_strided_slice %max3A_12 {offsets = [0, 19], sizes = [1000, 1], strides = [1, 1]} : vector<1000x25xf32> to vector<1000x1xf32>
    %slice3A_116 = vector.extract_strided_slice %dot_general3A_19 {offsets = [0, 608], sizes = [1000, 32], strides = [1, 1]} : vector<1000x832xf32> to vector<1000x32xf32>
    %mul3A_117 = vector.broadcast %slice3A_115 : vector<1000x1xf32> to vector<1000x32xf32>
    %mul3A_118 = arith.mulf %mul3A_117, %slice3A_116 : vector<1000x32xf32>
    %add3A_119 = arith.addf %add3A_114, %mul3A_118 : vector<1000x32xf32>
    %slice3A_120 = vector.extract_strided_slice %max3A_12 {offsets = [0, 20], sizes = [1000, 1], strides = [1, 1]} : vector<1000x25xf32> to vector<1000x1xf32>
    %slice3A_121 = vector.extract_strided_slice %dot_general3A_19 {offsets = [0, 640], sizes = [1000, 32], strides = [1, 1]} : vector<1000x832xf32> to vector<1000x32xf32>
    %mul3A_122 = vector.broadcast %slice3A_120 : vector<1000x1xf32> to vector<1000x32xf32>
    %mul3A_123 = arith.mulf %mul3A_122, %slice3A_121 : vector<1000x32xf32>
    %add3A_124 = arith.addf %add3A_119, %mul3A_123 : vector<1000x32xf32>
    %slice3A_125 = vector.extract_strided_slice %max3A_12 {offsets = [0, 21], sizes = [1000, 1], strides = [1, 1]} : vector<1000x25xf32> to vector<1000x1xf32>
    %slice3A_126 = vector.extract_strided_slice %dot_general3A_19 {offsets = [0, 672], sizes = [1000, 32], strides = [1, 1]} : vector<1000x832xf32> to vector<1000x32xf32>
    %mul3A_127 = vector.broadcast %slice3A_125 : vector<1000x1xf32> to vector<1000x32xf32>
    %mul3A_128 = arith.mulf %mul3A_127, %slice3A_126 : vector<1000x32xf32>
    %add3A_129 = arith.addf %add3A_124, %mul3A_128 : vector<1000x32xf32>
    %slice3A_130 = vector.extract_strided_slice %max3A_12 {offsets = [0, 22], sizes = [1000, 1], strides = [1, 1]} : vector<1000x25xf32> to vector<1000x1xf32>
    %slice3A_131 = vector.extract_strided_slice %dot_general3A_19 {offsets = [0, 704], sizes = [1000, 32], strides = [1, 1]} : vector<1000x832xf32> to vector<1000x32xf32>
    %mul3A_132 = vector.broadcast %slice3A_130 : vector<1000x1xf32> to vector<1000x32xf32>
    %mul3A_133 = arith.mulf %mul3A_132, %slice3A_131 : vector<1000x32xf32>
    %add3A_134 = arith.addf %add3A_129, %mul3A_133 : vector<1000x32xf32>
    %slice3A_135 = vector.extract_strided_slice %max3A_12 {offsets = [0, 23], sizes = [1000, 1], strides = [1, 1]} : vector<1000x25xf32> to vector<1000x1xf32>
    %slice3A_136 = vector.extract_strided_slice %dot_general3A_19 {offsets = [0, 736], sizes = [1000, 32], strides = [1, 1]} : vector<1000x832xf32> to vector<1000x32xf32>
    %mul3A_137 = vector.broadcast %slice3A_135 : vector<1000x1xf32> to vector<1000x32xf32>
    %mul3A_138 = arith.mulf %mul3A_137, %slice3A_136 : vector<1000x32xf32>
    %add3A_139 = arith.addf %add3A_134, %mul3A_138 : vector<1000x32xf32>
    %slice3A_140 = vector.extract_strided_slice %max3A_12 {offsets = [0, 24], sizes = [1000, 1], strides = [1, 1]} : vector<1000x25xf32> to vector<1000x1xf32>
    %slice3A_141 = vector.extract_strided_slice %dot_general3A_19 {offsets = [0, 768], sizes = [1000, 32], strides = [1, 1]} : vector<1000x832xf32> to vector<1000x32xf32>
    %mul3A_142 = vector.broadcast %slice3A_140 : vector<1000x1xf32> to vector<1000x32xf32>
    %mul3A_143 = arith.mulf %mul3A_142, %slice3A_141 : vector<1000x32xf32>
    %add3A_144 = arith.addf %add3A_139, %mul3A_143 : vector<1000x32xf32>
    %swap3A = arith.constant 0 : index
    %swap3A_145 = arith.constant 0 : index
    %swap3A_146 = vector.load %arg6[%swap3A, %swap3A_145] : memref<1000x32xf32, #tpu.memory_space<vmem>>, vector<1000x32xf32>
    tpu.vector_store %arg6[%swap3A, %swap3A_145], %add3A_144 {strides = array<i32>} : memref<1000x32xf32, #tpu.memory_space<vmem>>, vector<1000x32xf32>,
    return
  }
  func.func @transform_0(%arg0: i32) -> (i32, i32) {
    %min3A = arith.constant 159 : i32
    %min3A_0 = arith.minsi %arg0, %min3A : i32
    %c0_i32 = arith.constant 0 : i32
    %c0_i32_1 = arith.constant 0 : i32
    return %min3A_0, %c0_i32 : i32, i32
  }
  func.func @transform_1(%arg0: i32) -> (i32, i32) {
    %min3A = arith.constant 159 : i32
    %min3A_0 = arith.minsi %arg0, %min3A : i32
    %c0_i32 = arith.constant 0 : i32
    %c0_i32_1 = arith.constant 0 : i32
    return %min3A_0, %c0_i32 : i32, i32
  }
  func.func @transform_2(%arg0: i32) -> (i32, i32) {
    %c0_i32 = arith.constant 0 : i32
    %c0_i32_0 = arith.constant 0 : i32
    %c0_i32_1 = arith.constant 0 : i32
    return %c0_i32, %c0_i32_0 : i32, i32
  }
  func.func @transform_3(%arg0: i32) -> (i32, i32) {
    %c0_i32 = arith.constant 0 : i32
    %c0_i32_0 = arith.constant 0 : i32
    %c0_i32_1 = arith.constant 0 : i32
    return %c0_i32, %c0_i32_0 : i32, i32
  }
  func.func @transform_4(%arg0: i32) -> (i32, i32) {
    %c0_i32 = arith.constant 0 : i32
    %c0_i32_0 = arith.constant 0 : i32
    %c0_i32_1 = arith.constant 0 : i32
    return %c0_i32, %c0_i32_0 : i32, i32
  }
  func.func @transform_5(%arg0: i32) -> (i32, i32) {
    %c0_i32 = arith.constant 0 : i32
    %c0_i32_0 = arith.constant 0 : i32
    return %arg0, %c0_i32 : i32, i32
  }
}

module attributes {stable_mosaic.version = 14 : i64} {
  func.func @_epilogue_body(%arg0: i32, %arg1: memref<1000x32xf32, #tpu.memory_space<vmem>>, %arg2: memref<1000x128xf32, #tpu.memory_space<vmem>>, %arg3: memref<128x32xf32, #tpu.memory_space<vmem>>, %arg4: memref<1x32xf32, #tpu.memory_space<vmem>>, %arg5: memref<32x10xf32, #tpu.memory_space<vmem>>, %arg6: memref<1x10xf32, #tpu.memory_space<vmem>>, %arg7: memref<1000x10xf32, #tpu.memory_space<vmem>>) attributes {dimension_semantics = [#tpu.dimension_semantics<arbitrary>], iteration_bounds = array<i64: 10>, scalar_prefetch = 0 : i64, scratch_operands = 0 : i64, tpu.core_type = #tpu.core_type<tc>, window_params = [{transform_indices = @transform_0, window_bounds = array<i64: 1000, 32>}, {transform_indices = @transform_1, window_bounds = array<i64: 1000, 128>}, {pipeline_mode = #tpu.pipeline_mode<synchronous>, transform_indices = @transform_2, window_bounds = array<i64: 128, 32>}, {pipeline_mode = #tpu.pipeline_mode<synchronous>, transform_indices = @transform_3, window_bounds = array<i64: 1, 32>}, {pipeline_mode = #tpu.pipeline_mode<synchronous>, transform_indices = @transform_4, window_bounds = array<i64: 32, 10>}, {pipeline_mode = #tpu.pipeline_mode<synchronous>, transform_indices = @transform_5, window_bounds = array<i64: 1, 10>}, {transform_indices = @transform_6, window_bounds = array<i64: 1000, 10>}]} {
    %get3A = arith.constant 0 : index
    %get3A_0 = arith.constant 0 : index
    %get3A_1 = vector.load %arg1[%get3A, %get3A_0] : memref<1000x32xf32, #tpu.memory_space<vmem>>, vector<1000x32xf32>
    %eq3A = arith.constant 0xFF800000 : f32
    %eq3A_2 = vector.broadcast %eq3A : f32 to vector<1000x32xf32>
    %eq3A_3 = arith.cmpf oeq, %get3A_1, %eq3A_2 : vector<1000x32xf32>
    %jit3A = arith.constant 0.000000e+00 : f32
    %broadcast_in_dim3A = vector.broadcast %jit3A : f32 to vector<1000x32xf32>
    %select_n3A = arith.select %eq3A_3, %broadcast_in_dim3A, %get3A_1 : vector<1000x32xi1>, vector<1000x32xf32>
    %get3A_4 = arith.constant 0 : index
    %get3A_5 = arith.constant 0 : index
    %get3A_6 = vector.load %arg2[%get3A_4, %get3A_5] : memref<1000x128xf32, #tpu.memory_space<vmem>>, vector<1000x128xf32>
    %get3A_7 = arith.constant 0 : index
    %get3A_8 = arith.constant 0 : index
    %get3A_9 = vector.load %arg3[%get3A_7, %get3A_8] : memref<128x32xf32, #tpu.memory_space<vmem>>, vector<128x32xf32>
    %dot_general3A = arith.constant dense<0.000000e+00> : vector<1000x32xf32>
    %dot_general3A_10 = tpu.matmul %get3A_6, %get3A_9, %dot_general3A {dimension_numbers = #tpu.dot_dimension_numbers<[1], [0], [0], [1], [0, 0, 1, 1], [], []>, transpose_lhs_hint = false} : vector<1000x128xf32>, vector<128x32xf32>, vector<1000x32xf32> -> vector<1000x32xf32>
    %add3A = arith.addf %select_n3A, %dot_general3A_10 : vector<1000x32xf32>
    %get3A_11 = arith.constant 0 : index
    %get3A_12 = arith.constant 0 : index
    %get3A_13 = vector.load %arg4[%get3A_11, %get3A_12] : memref<1x32xf32, #tpu.memory_space<vmem>>, vector<1x32xf32>
    %add3A_14 = vector.broadcast %get3A_13 : vector<1x32xf32> to vector<1000x32xf32>
    %add3A_15 = arith.addf %add3A, %add3A_14 : vector<1000x32xf32>
    %gt3A = arith.constant 0.000000e+00 : f32
    %gt3A_16 = vector.broadcast %gt3A : f32 to vector<1000x32xf32>
    %gt3A_17 = arith.cmpf ogt, %add3A_15, %gt3A_16 : vector<1000x32xf32>
    %min3A = arith.constant 0.000000e+00 : f32
    %min3A_18 = vector.broadcast %min3A : f32 to vector<1000x32xf32>
    %min3A_19 = arith.minimumf %add3A_15, %min3A_18 : vector<1000x32xf32>
    %exp3A = math.exp %min3A_19 : vector<1000x32xf32>
    %sub3A = arith.constant 1.000000e+00 : f32
    %sub3A_20 = vector.broadcast %sub3A : f32 to vector<1000x32xf32>
    %sub3A_21 = arith.subf %exp3A, %sub3A_20 : vector<1000x32xf32>
    %select_n3A_22 = arith.select %gt3A_17, %add3A_15, %sub3A_21 : vector<1000x32xi1>, vector<1000x32xf32>
    %get3A_23 = arith.constant 0 : index
    %get3A_24 = arith.constant 0 : index
    %get3A_25 = vector.load %arg5[%get3A_23, %get3A_24] : memref<32x10xf32, #tpu.memory_space<vmem>>, vector<32x10xf32>
    %dot_general3A_26 = arith.constant dense<0.000000e+00> : vector<1000x10xf32>
    %dot_general3A_27 = tpu.matmul %select_n3A_22, %get3A_25, %dot_general3A_26 {dimension_numbers = #tpu.dot_dimension_numbers<[1], [0], [0], [1], [0, 0, 1, 1], [], []>, transpose_lhs_hint = false} : vector<1000x32xf32>, vector<32x10xf32>, vector<1000x10xf32> -> vector<1000x10xf32>
    %get3A_28 = arith.constant 0 : index
    %get3A_29 = arith.constant 0 : index
    %get3A_30 = vector.load %arg6[%get3A_28, %get3A_29] : memref<1x10xf32, #tpu.memory_space<vmem>>, vector<1x10xf32>
    %add3A_31 = vector.broadcast %get3A_30 : vector<1x10xf32> to vector<1000x10xf32>
    %add3A_32 = arith.addf %dot_general3A_27, %add3A_31 : vector<1000x10xf32>
    %reduce_max3A = arith.constant dense<0xFF800000> : vector<1000xf32>
    %reduce_max3A_33 = vector.multi_reduction <maximumf>, %add3A_32, %reduce_max3A [1] : vector<1000x10xf32> to vector<1000xf32>
    %broadcast_in_dim3A_34 = vector.shape_cast %reduce_max3A_33 : vector<1000xf32> to vector<1000x1xf32>
    %sub3A_35 = vector.broadcast %broadcast_in_dim3A_34 : vector<1000x1xf32> to vector<1000x10xf32>
    %sub3A_36 = arith.subf %add3A_32, %sub3A_35 : vector<1000x10xf32>
    %exp3A_37 = math.exp %sub3A_36 : vector<1000x10xf32>
    %reduce_sum3A = arith.constant dense<0.000000e+00> : vector<1000xf32>
    %reduce_sum3A_38 = vector.multi_reduction <add>, %exp3A_37, %reduce_sum3A [1] : vector<1000x10xf32> to vector<1000xf32>
    %broadcast_in_dim3A_39 = vector.shape_cast %reduce_sum3A_38 : vector<1000xf32> to vector<1000x1xf32>
    %log3A = math.log %broadcast_in_dim3A_39 : vector<1000x1xf32>
    %add3A_40 = arith.addf %broadcast_in_dim3A_34, %log3A : vector<1000x1xf32>
    %sub3A_41 = vector.broadcast %add3A_40 : vector<1000x1xf32> to vector<1000x10xf32>
    %sub3A_42 = arith.subf %add3A_32, %sub3A_41 : vector<1000x10xf32>
    %swap3A = arith.constant 0 : index
    %swap3A_43 = arith.constant 0 : index
    %swap3A_44 = vector.load %arg7[%swap3A, %swap3A_43] : memref<1000x10xf32, #tpu.memory_space<vmem>>, vector<1000x10xf32>
    tpu.vector_store %arg7[%swap3A, %swap3A_43], %sub3A_42 {strides = array<i32>} : memref<1000x10xf32, #tpu.memory_space<vmem>>, vector<1000x10xf32>,
    return
  }
  func.func @transform_0(%arg0: i32) -> (i32, i32) {
    %c0_i32 = arith.constant 0 : i32
    %c0_i32_0 = arith.constant 0 : i32
    return %arg0, %c0_i32 : i32, i32
  }
  func.func @transform_1(%arg0: i32) -> (i32, i32) {
    %c0_i32 = arith.constant 0 : i32
    %c0_i32_0 = arith.constant 0 : i32
    return %arg0, %c0_i32 : i32, i32
  }
  func.func @transform_2(%arg0: i32) -> (i32, i32) {
    %c0_i32 = arith.constant 0 : i32
    %c0_i32_0 = arith.constant 0 : i32
    %c0_i32_1 = arith.constant 0 : i32
    return %c0_i32, %c0_i32_0 : i32, i32
  }
  func.func @transform_3(%arg0: i32) -> (i32, i32) {
    %c0_i32 = arith.constant 0 : i32
    %c0_i32_0 = arith.constant 0 : i32
    %c0_i32_1 = arith.constant 0 : i32
    return %c0_i32, %c0_i32_0 : i32, i32
  }
  func.func @transform_4(%arg0: i32) -> (i32, i32) {
    %c0_i32 = arith.constant 0 : i32
    %c0_i32_0 = arith.constant 0 : i32
    %c0_i32_1 = arith.constant 0 : i32
    return %c0_i32, %c0_i32_0 : i32, i32
  }
  func.func @transform_5(%arg0: i32) -> (i32, i32) {
    %c0_i32 = arith.constant 0 : i32
    %c0_i32_0 = arith.constant 0 : i32
    %c0_i32_1 = arith.constant 0 : i32
    return %c0_i32, %c0_i32_0 : i32, i32
  }
  func.func @transform_6(%arg0: i32) -> (i32, i32) {
    %c0_i32 = arith.constant 0 : i32
    %c0_i32_0 = arith.constant 0 : i32
    return %arg0, %c0_i32 : i32, i32
  }
}

</mosaic_0001>

<sc_bundles>
// kernel: gather_offload_async_start.1
scs
__scs_entry_jumppad:
0x0: {  	(pc) =	sbr.rel $0x88, $3  }
0x1: {  	(tag) =	ssettag $0x0;
	lr =	simm.s32 $0x1  }
0x2: {  	[smem:$0x3F96] =	sst lr;
	_ =	strace $0xD0000000  }
0x3: {  	_ = 	snop  }
0x4: {  	_ = 	snop  }
0x5: {  	_ = 	snop  }
0x6: {  	_ = 	snop  }
0x7: {  	_ = 	snop  }
__scs_overlays_trampoline_lowered:
0x8: {  	[smem:$0x3FA5] =	sst s0  }
0x9: {  	[smem:$0x3FA6] =	sst s1  }
0xa: {  	[smem:$0x3FA7] =	sst s2  }
0xb: {  	[smem:$0x3FA8] =	sst s3  }
0xc: {  	[smem:$0x3FA9] =	sst s4  }
0xd: {  	[smem:$0x3FAA] =	sst s5  }
0xe: {  	[smem:$0x3FAB] =	sst s6  }
0xf: {  	[smem:$0x3FAC] =	sst s7  }
0x10: {  	[smem:$0x3FAD] =	sst s8  }
0x11: {  	[smem:$0x3FAE] =	sst s9;
	s0 =	simm.s32 @!p0 $0x0  }
0x12: {  	s1 =	sld [smem:$0x3F94];
	s0 =	simm.s32 @p0 $0x1  }
0x13: {  	[smem:$0x3FAF] =	sst s0;
	s0 =	simm.s32 @!p1 $0x0  }
0x14: {  	s2 =	sld [smem:$0x3F93];
	s0 =	simm.s32 @p1 $0x1  }
0x15: {  	[smem:$0x3FB0] =	sst s0;
	s0 =	simm.s32 @!p2 $0x0  }
0x16: {  	s3 =	sld [smem:$0x3FDB];
	s0 =	simm.s32 @p2 $0x1  }
0x17: {  	s4 =	simm.s32 $0x1BF5;
	[smem:$0x3FB2] =	sst s0  }
0x18: {  	s0 =	sld [smem:$0x3F95];
	_ =	swait.ge [sflag:s4], $0x0  }
0x19: {  	s7 =	sld [smem:$0x3F96]  }
0x1a: {  	s8 =	sadd.s32 $0xFFFFE003, lr  }
0x1b: {  	s9 =	sadd.s32 $0xFFFFFEF7, lr;
	s5 =	simm.s32 $0xFFFFFFFF;
	p2 =	slt.u32 s8, $0xFFFFF086  }
0x1c: {  	p1 =	slt.u32 s9, $0xF7A;
	s5 =	simm.s32 @!p2 $0x0  }
0x1d: {  	s5 =	simm.s32 @p1 $0x1;
	p0 =	seq.s32 s7, s2  }
0x1e: {  	s7 =	smul.u32 @!p0 $0xF7A, s2;
	p2 =	seq.s32 @!p0 s5, $0x0  }
0x1f: {  	s9 =	smul.u32 $0xF7A, s1;
	s8 =	simm.s32 @!p0 $0x1BF5;
	p2 =	por !p2, p0  }
0x20: {  	[sflag:s8] =	ssyncset.s32 @!p0 $0xFFFFF086;
	s6 =	sadd.s32 @!p0 s3, s7;
	s7 =	simm.s32 @!p0 $0x108  }
0x21: {  	s3 =	sadd.s32 s3, s9;
	s6 =	sadd.s32 @!p0 $0x88, s6;
	s7 =	simm.s32 @p2 $0x1082  }
0x22: {  	[simem:s7], [sflag:s8] =	dma.local @!p0 [hbm:s6], $0xF7A  }
0x23: {  	s9 =	sor.u32 $0xD0000000, s2;
	s6 =	simm.s32 $0x108;
	_ =	swait.ge @!p0 [sflag:s8], $0x0  }
0x24: {  	s3 =	sadd.s32 $0x88, s3;
	s6 =	simm.s32 @!p1 $0x1082;
	[sflag:s4] =	ssyncset.s32 $0xFFFFF086  }
0x25: {  	[simem:s6], [sflag:s4] =	dma.local [hbm:s3], $0xF7A  }
0x26: {  	[smem:$0x3F96] =	sst s1;
	(tag) =	ssettag s2;
	_ =	strace s9  }
0x27: {  	s1 =	sld [smem:$0x3FA6]  }
0x28: {  	s2 =	sld [smem:$0x3FA7]  }
0x29: {  	s4 =	sld [smem:$0x3FA9]  }
0x2a: {  	p0 =	seq.s32 s5, $0x0;
	s5 =	sld [smem:$0x3FAA]  }
0x2b: {  	s6 =	sld [smem:$0x3FAB]  }
0x2c: {  	s7 =	sld [smem:$0x3FAC]  }
0x2d: {  	s3 =	simm.s32 $0x108;
	s8 =	sld [smem:$0x3FAD]  }
0x2e: {  	s3 =	simm.s32 @!p0 $0x1082;
	s9 =	sld [smem:$0x3FAE]  }
0x2f: {  	lr =	sadd.s32 s0, s3;
	s0 =	sld [smem:$0x3FA5]  }
0x30: {  	s3 =	sld [smem:$0x3FA8]  }
0x31: {  	[smem:$0x3FB1] =	sst s10  }
0x32: {  	s10 =	sld [smem:$0x3FAF];
	_ =	sdelay $0x3  }
0x33: {  	p0 =	seq.s32 s10, $0x1;
	s10 =	sld [smem:$0x3FB1];
	_ =	sdelay $0x3  }
0x34: {  	[smem:$0x3FB1] =	sst s10  }
0x35: {  	s10 =	sld [smem:$0x3FB0];
	_ =	sdelay $0x3  }
0x36: {  	p1 =	seq.s32 s10, $0x1;
	s10 =	sld [smem:$0x3FB1];
	_ =	sdelay $0x3  }
0x37: {  	[smem:$0x3FB1] =	sst s10  }
0x38: {  	s10 =	sld [smem:$0x3FB2]  }
0x39: {  	_ = 	snop;
	(pc) =	sbr.ind lr, $3  }
0x3a: {  	_ = 	snop  }
0x3b: {  	_ = 	snop  }
0x3c: {  	p2 =	seq.s32 s10, $0x1;
	s10 =	sld [smem:$0x3FB1]  }
0x3d: {  	_ =	shalt  }
0x3e: {  	_ =	shalt  }
0x3f: {  	_ =	shalt  }
0x40: {  	_ =	shalt  }
0x41: {  	_ =	shalt  }
0x42: {  	_ =	shalt  }
0x43: {  	_ =	shalt  }
0x44: {  	_ =	shalt  }
0x45: {  	_ =	shalt  }
0x46: {  	_ =	shalt  }
0x47: {  	_ =	shalt  }
0x48: {  	_ =	shalt  }
0x49: {  	_ =	shalt  }
0x4a: {  	_ =	shalt  }
0x4b: {  	_ =	shalt  }
0x4c: {  	_ =	shalt  }
0x4d: {  	_ =	shalt  }
0x4e: {  	_ =	shalt  }
0x4f: {  	_ =	shalt  }
0x50: {  	_ =	shalt  }
0x51: {  	_ =	shalt  }
0x52: {  	_ =	shalt  }
0x53: {  	_ =	shalt  }
0x54: {  	_ =	shalt  }
0x55: {  	_ =	shalt  }
0x56: {  	_ =	shalt  }
0x57: {  	_ =	shalt  }
0x58: {  	_ =	shalt  }
0x59: {  	_ =	shalt  }
0x5a: {  	_ =	shalt  }
0x5b: {  	_ =	shalt  }
0x5c: {  	_ =	shalt  }
0x5d: {  	_ =	shalt  }
0x5e: {  	_ =	shalt  }
0x5f: {  	_ =	shalt  }
0x60: {  	_ =	shalt  }
0x61: {  	_ =	shalt  }
0x62: {  	_ =	shalt  }
0x63: {  	_ =	shalt  }
0x64: {  	_ =	shalt  }
0x65: {  	_ =	shalt  }
0x66: {  	_ =	shalt  }
0x67: {  	_ =	shalt  }
0x68: {  	_ =	shalt  }
0x69: {  	_ =	shalt  }
0x6a: {  	_ =	shalt  }
0x6b: {  	_ =	shalt  }
0x6c: {  	_ =	shalt  }
0x6d: {  	_ =	shalt  }
0x6e: {  	_ =	shalt  }
0x6f: {  	_ =	shalt  }
0x70: {  	_ =	shalt  }
0x71: {  	_ =	shalt  }
0x72: {  	_ =	shalt  }
0x73: {  	_ =	shalt  }
0x74: {  	_ =	shalt  }
0x75: {  	_ =	shalt  }
0x76: {  	_ =	shalt  }
0x77: {  	_ =	shalt  }
0x78: {  	_ =	shalt  }
0x79: {  	_ =	shalt  }
0x7a: {  	_ =	shalt  }
0x7b: {  	_ =	shalt  }
0x7c: {  	_ =	shalt  }
0x7d: {  	_ =	shalt  }
0x7e: {  	_ =	shalt  }
0x7f: {  	_ =	shalt  }
0x80: {  	_ =	shalt  }
0x81: {  	_ =	shalt  }
0x82: {  	_ =	shalt  }
0x83: {  	_ =	shalt  }
0x84: {  	_ =	shalt  }
0x85: {  	_ =	shalt  }
0x86: {  	_ =	shalt  }
0x87: {  	_ =	shalt  }
.Lfunc_end0:
.L_simem_size_0:
called_computation.1_lowered:
.L_overlay_start_0:
0x88: {  	s2 =	sld [smem:$0x3FD9]  }
0x89: {  	s3 =	sld [smem:$0x3FFE];
	_ =	sdelay $0x1  }
0x8a: {  	s1 =	srdreg.scid  }
0x8b: {  	s0 =	sand.u32 $0x1, s1  }
0x8c: {  	s16 =	sshll.u32 s0, $0xA;
	s2 =	sadd.s32 s3, s2  }
0x8d: {  	s2 =	sadd.s32 s2, s16  }
0x8e: {  	[smem:$0x3FBD] =	sst s2  }
0x8f: {  	_ = 	snop  }
0x90: {  	(tm) =	ssettm $0x1  }
0x91: {  	s17 =	sld [smem:$0x3FFB];
	_ =	sdelay $0x3  }
0x92: {  	_ =	strace s17  }
0x93: {  	s2 =	sld [smem:$0x3FFC];
	_ =	sdelay $0x3  }
0x94: {  	_ =	strace s2  }
0x95: {  	s2 =	sld [smem:$0x3FFD];
	_ =	sdelay $0x3  }
0x96: {  	_ =	strace s2  }
0x97: {  	_ =	strace $0x8FFFFFFF  }
0x98: {  	s18 =	sld [smem:$0x3FDB];
	_ =	sdelay $0x1  }
0x99: {  	s19 =	simm.s32 $_scs_section_size  }
0x9a: {  	s4 =	simm.s32 $_size__tile_overlayer_lowered;
	s5 =	simm.s32 $_tile_overlayer_lowered  }
0x9b: {  	s22 =	simm.s32 $0x1BFF;
	s21 =	sshll.u32 s5, $0x1;
	s2 =	sadd.s32 s19, s18  }
0x9c: {  	s6 =	simm.s32 $0x0;
	s20 =	sshll.u32 s4, $0x1;
	s4 =	sadd.s32 s21, s2  }
0x9d: {  	[timem:s6], [sflag:s22] =	dma.local [hbm:s4], s20  }
0x9e: {  	_ =	swait.ge [sflag:s22], s20  }
0x9f: {  	s3 =	ssub.s32 $0x0, s20;
	[sflag:s22] =	ssyncset.done $0x0  }
0xa0: {  	[sflag:s22] =	ssyncadd.s32 s3;
	_ =	sdelay $0x1  }
0xa1: {  	s23 =	simm.s32 $0x1B8B  }
0xa2: {  	_ =	swait.ge [sflag:s23], $0x1  }
0xa3: {  	[sflag:s23] =	ssyncset.done $0x0  }
0xa4: {  	s25 =	simm.s32 $0x1B8E;
	s24 =	sld [smem:$0x3FFE];
	[sflag:s23] =	ssyncadd.s32 $0xFFFFFFFF  }
0xa5: {  	s26 =	simm.s32 $execute0_lowered;
	[smem:$0x3FD2] =	sst s25  }
0xa6: {  	s4 =	sshll.u32 s26, $0x1;
	_ =	strace $0x80000046;
	[dreg:$0x1] =	wrdreg $0xFFFFFFFF  }
0xa7: {  	s28 =	simm.s32 $_size_execute0_lowered;
	s2 =	sadd.s32 s2, s4;
	[dreg:$0x0] =	wrdreg $0x0  }
0xa8: {  	s4 =	sshll.u32 s28, $0x1;
	[dreg:$0x2] =	wrdreg s2  }
0xa9: {  	[dreg:$0x3] =	wrdreg s4  }
0xaa: {  	[dreg:$0x4] =	wrdreg $0xC0  }
0xab: {  	_ =	task [dreg:s6], $0x5FFFF  }
0xac: {  	[dreg:$0x1] =	wrdreg $0xFFFFFFFF  }
0xad: {  	[dreg:$0x0] =	wrdreg $0x60  }
0xae: {  	[dreg:$0x2] =	wrdreg s24  }
0xaf: {  	[dreg:$0x3] =	wrdreg $0xB  }
0xb0: {  	_ =	task.clear_ibuf [dreg:s6], $0x4FFFF;
	_ =	strace $0x90000046  }
0xb1: {  	s29 =	simm.s32 $0xB;
	_ =	strace $0x80000048  }
0xb2: {  	_ =	swait.ge [sflag:s29], $0x1  }
0xb3: {  	[sflag:s29] =	ssyncadd.s32 $0xFFFFFFFF  }
0xb4: {  	_ =	strace $0x90000048  }
0xb5: {  	_ =	sfence  }
0xb6: {  	s30 =	sld [smem:$0x0];
	_ =	sdelay $0x2  }
0xb7: {  	s31 =	sshll.u32 s1, $0xD;
	s1 =	sshrl.u32 s1, $0x2  }
0xb8: {  	s3 =	sand.u32 $0x4000, s31;
	s1 =	sadd.s32 s1, s30  }
0xb9: {  	s0 =	sor.u32 s3, s0;
	s1 =	sshll.u32 s1, $0x11  }
0xba: {  	s0 =	sor.u32 s1, s0  }
0xbb: {  	s0 =	sadd.s32 $0x8F2B, s0  }
0xbc: {  	[sflag:s0] =	ssyncadd.remote.s32 $0x1  }
0xbd: {  	_ =	sfence.sel $0xFFFF  }
0xbe: {  	[dreg:$0x0] =	wrdreg $0xFFFFFFFF;
	(pc) =	sbr.abs _section_cstart, $3  }
0xbf: {  	[dreg:$0x1] =	wrdreg $0xFFFFFFFF  }
0xc0: {  	_ =	task.clear_ibuf [dreg:s6], $0x2FFFF;
	_ =	strace $0x9FFFFFFF  }
0xc1: {  	(tm) =	ssettm $0x7FFFFFFF  }
tec
execute0_lowered:
.L_overlay_start_1:
0x0: {  	(tag) =	ssettag $0x1  }
0x1: {  	s8 =	rddreg [dreg:$0x0]  }
0x2: {  	s0 =	rddreg [dreg:$0x1];
	_ =	strace $0x80000047;
	s1 =	stileid.u32  }
0x3: {  	s3 =	srdreg.scid;
	s4 =	simm.s32 $0x1;
	s7 =	simm.s32 $0x1  }
0x4: {  	s9 =	simm.s32 $0x1;
	s10 =	simm.s32 $0x3;
	s13 =	simm.s32 $0x0  }
0x5: {  	s12 =	simm.s32 $0x0;
	s5 =	sand.u32 $0x1, s3;
	s6 =	sshll.u32 s1, $0x1  }
0x6: {  	s2 =	sadd.s32 $0x1600, s8;
	s3 =	sadd.s32 $0xB600, s8;
	s5 =	sor.u32 s6, s5  }
.Ltmp0:
0x7: {  	[sflag:s4] =	ssyncpa.u1 $0x0;
	p0 =	slt.u32 s5, $0x9;
	(pc) =	sbr.rel .LBB2_1-.Ltmp0, $4  }
0x8: {  	s6 =	simm.s32 $0x2;
	s7 =	simm.s32 @!p0 $0x0;
	p0 =	sne.s32 s5, $0x8  }
0x9: {  	[sflag:s6] =	ssyncpa.u1 $0x0;
	s5 =	smul.u32 $0xFA0, s5;
	s9 =	simm.s32 @!p0 $0x0  }
0xa: {  	s8 =	sadd.s32 $0x10600, s8;
	[sflag:s10] =	ssyncpa.u1 $0x0;
	s7 =	sadd.s32 s9, s7  }
0xb: {  	vm0 =	vmmov $0xffff;
	s10 =	simm.s32 $0x0;
	s11 =	smov.u32 s5;
	s9 =	sadd.s32 $0x1, s7  }
.LBB2_4:
0xc: {  	v2 =	vnsel vm1, $0x0, v2  }
0xd: {  	vm1 =	vgt.s32 v0, $0x0;
	v2 =	vmin.u32 v2, $0x270FF  }
0xe: {  	v0 =	vnsel vm1, $0x0, v0  }
0xf: {  	v0 =	vmin.u32 v0, $0x270FF  }
0x10: {  	[tilespmem:s18], [sflag:$0x1] =	stream.indirect_vreg.gather [hbm4b:s2+s10], $0x1, v1, vm0, $0x4038;
	[tilespmem:$0x3E80] =	vst v63  }
0x11: {  	(ifvalue) =	ssetifvalue $0x7FFFFFFF  }
0x12: {  	[tilespmem:s15], [sflag:$0x1] =	stream.indirect_vreg.gather [hbm4b:s2+s10], $0x1, v2, vm0, $0x4038;
	[tilespmem:$0x3E80] =	vst v63  }
0x13: {  	s29 =	sadd.s32 $0x10, s15;
	(ifvalue) =	ssetifvalue $0x7FFFFFFF  }
0x14: {  	[tilespmem:s29], [sflag:$0x1] =	stream.indirect_vreg.gather [hbm4b:s2+s10], $0x1, v0, vm0, $0x4038;
	[tilespmem:$0x3E80] =	vst v63  }
0x15: {  	_ =	swait.ge [sflag:s4], $0xFA0  }
0x16: {  	s30 =	sshrl.u32 s13, $0x3;
	[sflag:s4] =	ssyncset.done $0x0  }
0x17: {  	s31 =	sand.u32 $0x7, s13;
	s15 =	sadd.s32 s8, s30;
	[sflag:s4] =	ssyncadd.s32 $0xFFFFF060  }
0x18: {  	[hbm4b:s15+s31] =	stream.linear.scatter [tilespmem:s14], [sflag:$0x3], $0xFA0, $0x38;
	[tilespmem:$0x3E80] =	vst v63  }
.LBB2_5:
0x19: {  	s15 =	sadd.s32 $0x1F400, s11  }
0x1a: {  	p1 =	sgt.s32 s15, $0x270FF  }
0x1b: {  	s15 =	smov.u32 @p1 s5;
	p1 =	sne.s32 s12, s9  }
.Ltmp1:
0x1c: {  	p0 =	slt.u32 s12, $0x2;
	(pc) =	sbr.rel @!p1 .LBB2_6-.Ltmp1, $4  }
0x1d: {  	s14 =	simm.s32 @!p0 $0x3  }
0x1e: {  	_ =	swait.ge @!p0 [sflag:s14], $0xFA0  }
0x1f: {  	s16 =	sadd.s32 $0x1, s12;
	s13 =	smov.u32 s11;
	[sflag:s14] =	ssyncset.done @!p0 $0x0  }
0x20: {  	s12 =	smov.u32 s16;
	s11 =	smov.u32 s15;
	[sflag:s14] =	ssyncadd.s32 @!p0 $0xFFFFF060  }
.LBB2_1:
0x21: {  	p0 =	sge.u32 s12, s7  }
0x22: {  	s14 =	sxor.u32 @!p0 $0x1, s12  }
0x23: {  	s14 =	smul.u32 @!p0 $0x3E80, s14  }
0x24: {  	s31 =	sadd.s32 $0xFFFFFFFF, s12;
	s15 =	sshrl.u32 @!p0 s11, $0x3  }
0x25: {  	s16 =	sand.u32 @!p0 $0x7, s11;
	s15 =	sadd.s32 @!p0 s3, s15;
	s14 =	sshra.s32 @!p0 s14, $0x2  }
0x26: {  	[tilespmem:s14], [sflag:$0x2] =	stream.linear.gather @!p0 [hbm4b:s15+s16], $0xFA0, $0x38;
	[tilespmem:$0x3E80] =	vst v63  }
0x27: {  	p0 =	sge.u32 s31, s7  }
.Ltmp2:
0x28: {  	_ = 	snop;
	(pc) =	sbr.rel @p0 .LBB2_5-.Ltmp2, $1  }
0x29: {  	_ =	sdelay $0x3  }
0x2a: {  	s14 =	sand.u32 $0x1, s12  }
0x2b: {  	_ =	swait.ge [sflag:s6], $0xFA0;
	p0 =	seq.s32 s14, $0x1;
	s14 =	simm.s32 $0xFA0  }
0x2c: {  	[sflag:s6] =	ssyncset.done $0x0;
	s14 =	simm.s32 @!p0 $0x0  }
0x2d: {  	[sflag:s6] =	ssyncadd.s32 $0xFFFFF060;
	(ifvalue) =	ssetifvalue $0x7FFFFFFF;
	v0 =	vld.msk [tilespmem:s14+$0x0 ss:$0x1], $0xffff;
	_ =	sdelay $0x4  }
0x2e: {  	s15 =	sadd.s32 $0x10, s14;
	vm1 =	vgt.s32 v0, $0x0  }
0x2f: {  	v2 =	vld.msk [tilespmem:s15+$0x0 ss:$0x1], $0xffff;
	v1 =	vnsel vm1, $0x0, v0  }
0x30: {  	v1 =	vmin.u32 v1, $0x270FF;
	_ =	sdelay $0x2  }
0x31: {  	s17 =	simm.s32 $0x20;
	s14 =	sadd.s32 $0x1F40, s14;
	s16 =	sadd.s32 $0x10, s15  }
0x32: {  	s15 =	sadd.s32 $0x10, s14;
	s18 =	smov.u32 s14;
	v0 =	vld.msk [tilespmem:s16+$0x0 ss:$0x1], $0xffff;
	vm1 =	vgt.s32 v2, $0x0;
	(ifvalue) =	ssetifvalue $0x7FFFFFFF  }
.LBB2_3:
0x33: {  	[tilespmem:s18], [sflag:$0x1] =	stream.indirect_vreg.gather [hbm4b:s2+s10], $0x1, v1, vm0, $0x4038;
	[tilespmem:$0x3E80] =	vst v63  }
0x34: {  	s17 =	sadd.s32 $0x10, s17  }
0x35: {  	v2 =	vnsel vm1, $0x0, v2;
	p0 =	slt.u32 s17, $0xF90  }
.Ltmp3:
0x36: {  	s18 =	smov.u32 s15;
	v1 =	vmin.u32 v2, $0x270FF;
	(pc) =	sbr.rel @p0 .LBB2_3-.Ltmp3, $3  }
0x37: {  	_ =	sdelay $0x1  }
0x38: {  	s16 =	sadd.s32 $0x10, s16  }
0x39: {  	vm1 =	vgt.s32 v0, $0x0;
	s15 =	sadd.s32 $0x10, s15;
	v2 =	vmov v0;
	(ifvalue) =	ssetifvalue $0x7FFFFFFF;
	v0 =	vld.msk [tilespmem:s16+$0x0 ss:$0x1], $0xffff  }
.Ltmp4:
0x3a: {  	_ = 	snop;
	(pc) =	sbr.rel .LBB2_4-.Ltmp4, $1  }
0x3b: {  	_ =	sdelay $0x3  }
.LBB2_6:
0x3c: {  	_ =	sfence.sel $0x180000  }
0x3d: {  	s2 =	simm.s32 $0x2;
	[bflag:$0x0] =	sbarrier.arrive $0xFFFF  }
0x3e: {  	s30 =	simm.s32 $0x3;
	[sflag:s2] =	ssyncpa.u1 $0x1  }
0x3f: {  	s31 =	simm.s32 $0x1;
	[sflag:s30] =	ssyncpa.u1 $0x1  }
0x40: {  	[sflag:s31] =	ssyncpa.u1 $0x1  }
0x41: {  	p0 =	sne.s32 s1, $0x0;
	_ =	strace $0x90000047  }
0x42: {  	s0 =	sadd.s32 @!p0 $0x100000, s0;
	[bflag:$0x2] =	sbarrier.arrive $0xFFFF  }
0x43: {  	[sflag:s0] =	ssyncadd.tile.s32 @!p0 $0x1;
	_ =	shalt  }
.Lfunc_end2:
_tile_overlayer_lowered:
.L_overlay_start_2:
0x44: {  	(tag) =	ssettag $0x2  }
0x45: {  	s0 =	rddreg [dreg:$0x0];
	s2 =	stileid.u32  }
0x46: {  	s1 =	rddreg [dreg:$0x1];
	p0 =	sne.s32 s2, $0x0  }
0x47: {  	s3 =	rddreg [dreg:$0x2];
	[bflag:$0x3] =	sbarrier.arrive $0xFFFF;
	s2 =	simm.s32 @!p0 $0x1C01  }
0x48: {  	[timem:s3], [sflag:s2] =	dma.local @!p0 [hbm:s0], s1  }
0x49: {  	s0 =	simm.s32 @!p0 $0x1  }
0x4a: {  	_ =	swait.ge @!p0 [sflag:s0], s1  }
0x4b: {  	s1 =	ssub.s32 @!p0 $0x0, s1;
	[sflag:s0] =	ssyncset.done @!p0 $0x0  }
0x4c: {  	[sflag:s0] =	ssyncadd.s32 @!p0 s1  }
0x4d: {  	[bflag:$0x3] =	sbarrier.arrive $0xFFFF  }
0x4e: {  	_ =	shalt  }

// kernel: gather_offload_async_start.2
scs
__scs_entry_jumppad:
0x0: {  	(pc) =	sbr.rel $0x88, $3  }
0x1: {  	(tag) =	ssettag $0x0;
	lr =	simm.s32 $0x1  }
0x2: {  	[smem:$0x3F96] =	sst lr;
	_ =	strace $0xD0000000  }
0x3: {  	_ = 	snop  }
0x4: {  	_ = 	snop  }
0x5: {  	_ = 	snop  }
0x6: {  	_ = 	snop  }
0x7: {  	_ = 	snop  }
__scs_overlays_trampoline_lowered:
0x8: {  	[smem:$0x3FA5] =	sst s0  }
0x9: {  	[smem:$0x3FA6] =	sst s1  }
0xa: {  	[smem:$0x3FA7] =	sst s2  }
0xb: {  	[smem:$0x3FA8] =	sst s3  }
0xc: {  	[smem:$0x3FA9] =	sst s4  }
0xd: {  	[smem:$0x3FAA] =	sst s5  }
0xe: {  	[smem:$0x3FAB] =	sst s6  }
0xf: {  	[smem:$0x3FAC] =	sst s7  }
0x10: {  	[smem:$0x3FAD] =	sst s8  }
0x11: {  	[smem:$0x3FAE] =	sst s9;
	s0 =	simm.s32 @!p0 $0x0  }
0x12: {  	s1 =	sld [smem:$0x3F94];
	s0 =	simm.s32 @p0 $0x1  }
0x13: {  	[smem:$0x3FAF] =	sst s0;
	s0 =	simm.s32 @!p1 $0x0  }
0x14: {  	s2 =	sld [smem:$0x3F93];
	s0 =	simm.s32 @p1 $0x1  }
0x15: {  	[smem:$0x3FB0] =	sst s0;
	s0 =	simm.s32 @!p2 $0x0  }
0x16: {  	s3 =	sld [smem:$0x3FDB];
	s0 =	simm.s32 @p2 $0x1  }
0x17: {  	s4 =	simm.s32 $0x1BF5;
	[smem:$0x3FB2] =	sst s0  }
0x18: {  	s0 =	sld [smem:$0x3F95];
	_ =	swait.ge [sflag:s4], $0x0  }
0x19: {  	s7 =	sld [smem:$0x3F96]  }
0x1a: {  	s8 =	sadd.s32 $0xFFFFE003, lr  }
0x1b: {  	s9 =	sadd.s32 $0xFFFFFEF7, lr;
	s5 =	simm.s32 $0xFFFFFFFF;
	p2 =	slt.u32 s8, $0xFFFFF086  }
0x1c: {  	p1 =	slt.u32 s9, $0xF7A;
	s5 =	simm.s32 @!p2 $0x0  }
0x1d: {  	s5 =	simm.s32 @p1 $0x1;
	p0 =	seq.s32 s7, s2  }
0x1e: {  	s7 =	smul.u32 @!p0 $0xF7A, s2;
	p2 =	seq.s32 @!p0 s5, $0x0  }
0x1f: {  	s9 =	smul.u32 $0xF7A, s1;
	s8 =	simm.s32 @!p0 $0x1BF5;
	p2 =	por !p2, p0  }
0x20: {  	[sflag:s8] =	ssyncset.s32 @!p0 $0xFFFFF086;
	s6 =	sadd.s32 @!p0 s3, s7;
	s7 =	simm.s32 @!p0 $0x108  }
0x21: {  	s3 =	sadd.s32 s3, s9;
	s6 =	sadd.s32 @!p0 $0x88, s6;
	s7 =	simm.s32 @p2 $0x1082  }
0x22: {  	[simem:s7], [sflag:s8] =	dma.local @!p0 [hbm:s6], $0xF7A  }
0x23: {  	s9 =	sor.u32 $0xD0000000, s2;
	s6 =	simm.s32 $0x108;
	_ =	swait.ge @!p0 [sflag:s8], $0x0  }
0x24: {  	s3 =	sadd.s32 $0x88, s3;
	s6 =	simm.s32 @!p1 $0x1082;
	[sflag:s4] =	ssyncset.s32 $0xFFFFF086  }
0x25: {  	[simem:s6], [sflag:s4] =	dma.local [hbm:s3], $0xF7A  }
0x26: {  	[smem:$0x3F96] =	sst s1;
	(tag) =	ssettag s2;
	_ =	strace s9  }
0x27: {  	s1 =	sld [smem:$0x3FA6]  }
0x28: {  	s2 =	sld [smem:$0x3FA7]  }
0x29: {  	s4 =	sld [smem:$0x3FA9]  }
0x2a: {  	p0 =	seq.s32 s5, $0x0;
	s5 =	sld [smem:$0x3FAA]  }
0x2b: {  	s6 =	sld [smem:$0x3FAB]  }
0x2c: {  	s7 =	sld [smem:$0x3FAC]  }
0x2d: {  	s3 =	simm.s32 $0x108;
	s8 =	sld [smem:$0x3FAD]  }
0x2e: {  	s3 =	simm.s32 @!p0 $0x1082;
	s9 =	sld [smem:$0x3FAE]  }
0x2f: {  	lr =	sadd.s32 s0, s3;
	s0 =	sld [smem:$0x3FA5]  }
0x30: {  	s3 =	sld [smem:$0x3FA8]  }
0x31: {  	[smem:$0x3FB1] =	sst s10  }
0x32: {  	s10 =	sld [smem:$0x3FAF];
	_ =	sdelay $0x3  }
0x33: {  	p0 =	seq.s32 s10, $0x1;
	s10 =	sld [smem:$0x3FB1];
	_ =	sdelay $0x3  }
0x34: {  	[smem:$0x3FB1] =	sst s10  }
0x35: {  	s10 =	sld [smem:$0x3FB0];
	_ =	sdelay $0x3  }
0x36: {  	p1 =	seq.s32 s10, $0x1;
	s10 =	sld [smem:$0x3FB1];
	_ =	sdelay $0x3  }
0x37: {  	[smem:$0x3FB1] =	sst s10  }
0x38: {  	s10 =	sld [smem:$0x3FB2]  }
0x39: {  	_ = 	snop;
	(pc) =	sbr.ind lr, $3  }
0x3a: {  	_ = 	snop  }
0x3b: {  	_ = 	snop  }
0x3c: {  	p2 =	seq.s32 s10, $0x1;
	s10 =	sld [smem:$0x3FB1]  }
0x3d: {  	_ =	shalt  }
0x3e: {  	_ =	shalt  }
0x3f: {  	_ =	shalt  }
0x40: {  	_ =	shalt  }
0x41: {  	_ =	shalt  }
0x42: {  	_ =	shalt  }
0x43: {  	_ =	shalt  }
0x44: {  	_ =	shalt  }
0x45: {  	_ =	shalt  }
0x46: {  	_ =	shalt  }
0x47: {  	_ =	shalt  }
0x48: {  	_ =	shalt  }
0x49: {  	_ =	shalt  }
0x4a: {  	_ =	shalt  }
0x4b: {  	_ =	shalt  }
0x4c: {  	_ =	shalt  }
0x4d: {  	_ =	shalt  }
0x4e: {  	_ =	shalt  }
0x4f: {  	_ =	shalt  }
0x50: {  	_ =	shalt  }
0x51: {  	_ =	shalt  }
0x52: {  	_ =	shalt  }
0x53: {  	_ =	shalt  }
0x54: {  	_ =	shalt  }
0x55: {  	_ =	shalt  }
0x56: {  	_ =	shalt  }
0x57: {  	_ =	shalt  }
0x58: {  	_ =	shalt  }
0x59: {  	_ =	shalt  }
0x5a: {  	_ =	shalt  }
0x5b: {  	_ =	shalt  }
0x5c: {  	_ =	shalt  }
0x5d: {  	_ =	shalt  }
0x5e: {  	_ =	shalt  }
0x5f: {  	_ =	shalt  }
0x60: {  	_ =	shalt  }
0x61: {  	_ =	shalt  }
0x62: {  	_ =	shalt  }
0x63: {  	_ =	shalt  }
0x64: {  	_ =	shalt  }
0x65: {  	_ =	shalt  }
0x66: {  	_ =	shalt  }
0x67: {  	_ =	shalt  }
0x68: {  	_ =	shalt  }
0x69: {  	_ =	shalt  }
0x6a: {  	_ =	shalt  }
0x6b: {  	_ =	shalt  }
0x6c: {  	_ =	shalt  }
0x6d: {  	_ =	shalt  }
0x6e: {  	_ =	shalt  }
0x6f: {  	_ =	shalt  }
0x70: {  	_ =	shalt  }
0x71: {  	_ =	shalt  }
0x72: {  	_ =	shalt  }
0x73: {  	_ =	shalt  }
0x74: {  	_ =	shalt  }
0x75: {  	_ =	shalt  }
0x76: {  	_ =	shalt  }
0x77: {  	_ =	shalt  }
0x78: {  	_ =	shalt  }
0x79: {  	_ =	shalt  }
0x7a: {  	_ =	shalt  }
0x7b: {  	_ =	shalt  }
0x7c: {  	_ =	shalt  }
0x7d: {  	_ =	shalt  }
0x7e: {  	_ =	shalt  }
0x7f: {  	_ =	shalt  }
0x80: {  	_ =	shalt  }
0x81: {  	_ =	shalt  }
0x82: {  	_ =	shalt  }
0x83: {  	_ =	shalt  }
0x84: {  	_ =	shalt  }
0x85: {  	_ =	shalt  }
0x86: {  	_ =	shalt  }
0x87: {  	_ =	shalt  }
.Lfunc_end0:
.L_simem_size_0:
called_computation.2_lowered:
.L_overlay_start_0:
0x88: {  	s2 =	sld [smem:$0x3FD9]  }
0x89: {  	s3 =	sld [smem:$0x3FFE];
	_ =	sdelay $0x1  }
0x8a: {  	s1 =	srdreg.scid  }
0x8b: {  	s0 =	sand.u32 $0x1, s1  }
0x8c: {  	s17 =	sshll.u32 s0, $0xA;
	s2 =	sadd.s32 s3, s2  }
0x8d: {  	s2 =	sadd.s32 s2, s17  }
0x8e: {  	[smem:$0x3FBD] =	sst s2  }
0x8f: {  	_ = 	snop  }
0x90: {  	s18 =	sld [smem:$0x3FD0];
	(tm) =	ssettm $0x1  }
0x91: {  	s19 =	sld [smem:$0x3FFB];
	_ =	sdelay $0x3  }
0x92: {  	_ =	strace s19  }
0x93: {  	s2 =	sld [smem:$0x3FFC];
	_ =	sdelay $0x3  }
0x94: {  	_ =	strace s2  }
0x95: {  	s2 =	sld [smem:$0x3FFD];
	_ =	sdelay $0x3  }
0x96: {  	_ =	strace s2  }
0x97: {  	_ =	strace $0x8FFFFFFF  }
0x98: {  	s20 =	sld [smem:$0x3FDB];
	_ =	sdelay $0x1  }
0x99: {  	s4 =	simm.s32 $_scs_section_size  }
0x9a: {  	s5 =	simm.s32 $_size__tile_overlayer_lowered;
	s6 =	simm.s32 $_tile_overlayer_lowered  }
0x9b: {  	s7 =	simm.s32 $0x1BFF;
	s21 =	sshll.u32 s6, $0x1;
	s4 =	sadd.s32 s4, s20  }
0x9c: {  	s22 =	simm.s32 $0x0;
	s5 =	sshll.u32 s5, $0x1;
	s6 =	sadd.s32 s21, s4  }
0x9d: {  	[timem:s22], [sflag:s7] =	dma.local [hbm:s6], s5  }
0x9e: {  	_ =	swait.ge [sflag:s7], s5  }
0x9f: {  	s5 =	ssub.s32 $0x0, s5;
	[sflag:s7] =	ssyncset.done $0x0  }
0xa0: {  	[sflag:s7] =	ssyncadd.s32 s5;
	_ =	sdelay $0x1  }
0xa1: {  	s23 =	simm.s32 $0x1B8B  }
0xa2: {  	_ =	swait.ge [sflag:s23], $0x1  }
0xa3: {  	[sflag:s23] =	ssyncset.done $0x0  }
0xa4: {  	[sflag:s23] =	ssyncadd.s32 $0xFFFFFFFF  }
0xa5: {  	s5 =	sld [smem:$0x0]  }
0xa6: {  	s6 =	sand.u32 $0xFFFFFFFE, s1  }
0xa7: {  	p0 =	sne.s32 s1, s6  }
0xa8: {  	s6 =	sshll.u32 @p0 s6, $0xE  }
0xa9: {  	s6 =	sadd.s32 @p0 $0x11B8D, s6;
	s7 =	sshll.u32 @p0 s5, $0x11  }
0xaa: {  	s6 =	sor.u32 @p0 s7, s6  }
0xab: {  	[sflag:s6] =	ssyncadd.remote.s32 @p0 $0x1;
	_ =	sdelay $0x1  }
0xac: {  	s6 =	simm.s32 @p0 $0x1B8D  }
0xad: {  	_ =	swait.eq @p0 [sflag:s6], $0x1  }
0xae: {  	[sflag:s6] =	ssyncadd.s32 @p0 $0xFFFFFFFF  }
0xaf: {  	s7 =	sshll.u32 @!p0 s1, $0xE  }
0xb0: {  	s7 =	sor.u32 @!p0 $0x4000, s7;
	s6 =	simm.s32 @!p0 $0x1B8D  }
0xb1: {  	s5 =	sshll.u32 @!p0 s5, $0x11;
	s7 =	sadd.s32 @!p0 $0x11B8D, s7;
	_ =	swait.eq @!p0 [sflag:s6], $0x1  }
0xb2: {  	s5 =	sor.u32 @!p0 s5, s7;
	[sflag:s6] =	ssyncadd.s32 @!p0 $0xFFFFFFFF  }
0xb3: {  	s25 =	simm.s32 $0x1B8E;
	s24 =	sld [smem:$0x3FFE];
	[sflag:s5] =	ssyncadd.remote.s32 @!p0 $0x1  }
0xb4: {  	s26 =	simm.s32 $execute0_lowered;
	[smem:$0x3FD2] =	sst s25  }
0xb5: {  	s6 =	sshll.u32 s26, $0x1;
	_ =	strace $0x8000004C;
	[dreg:$0x1] =	wrdreg $0xFFFFFFFF  }
0xb6: {  	s28 =	simm.s32 $_size_execute0_lowered;
	s4 =	sadd.s32 s4, s6;
	[dreg:$0x0] =	wrdreg $0x0  }
0xb7: {  	s6 =	sshll.u32 s28, $0x1;
	[dreg:$0x2] =	wrdreg s4  }
0xb8: {  	[dreg:$0x3] =	wrdreg s6  }
0xb9: {  	[dreg:$0x4] =	wrdreg $0xC0  }
0xba: {  	_ =	task [dreg:s22], $0x5FFFF  }
0xbb: {  	[dreg:$0x1] =	wrdreg $0xFFFFFFFF  }
0xbc: {  	[dreg:$0x0] =	wrdreg $0x60  }
0xbd: {  	[dreg:$0x2] =	wrdreg s18  }
0xbe: {  	[dreg:$0x3] =	wrdreg s24  }
0xbf: {  	[dreg:$0x4] =	wrdreg $0xA  }
0xc0: {  	_ =	task.clear_ibuf [dreg:s22], $0x5FFFF;
	_ =	strace $0x9000004C  }
0xc1: {  	s29 =	simm.s32 $0xA;
	_ =	strace $0x8000004E  }
0xc2: {  	_ =	swait.ge [sflag:s29], $0x1  }
0xc3: {  	[sflag:s29] =	ssyncadd.s32 $0xFFFFFFFF  }
0xc4: {  	_ =	strace $0x9000004E  }
0xc5: {  	_ =	sfence  }
0xc6: {  	s30 =	sld [smem:$0x0];
	_ =	sdelay $0x2  }
0xc7: {  	s31 =	sshll.u32 s1, $0xD;
	s1 =	sshrl.u32 s1, $0x2  }
0xc8: {  	s4 =	sand.u32 $0x4000, s31;
	s1 =	sadd.s32 s1, s30  }
0xc9: {  	s0 =	sor.u32 s4, s0;
	s1 =	sshll.u32 s1, $0x11  }
0xca: {  	s0 =	sor.u32 s1, s0  }
0xcb: {  	s0 =	sadd.s32 $0x8F2B, s0  }
0xcc: {  	[sflag:s0] =	ssyncadd.remote.s32 $0x1  }
0xcd: {  	_ =	sfence.sel $0xFFFF  }
0xce: {  	[dreg:$0x0] =	wrdreg $0xFFFFFFFF;
	(pc) =	sbr.abs _section_cstart, $3  }
0xcf: {  	[dreg:$0x1] =	wrdreg $0xFFFFFFFF  }
0xd0: {  	_ =	task.clear_ibuf [dreg:s22], $0x2FFFF;
	_ =	strace $0x9FFFFFFF  }
0xd1: {  	(tm) =	ssettm $0x7FFFFFFF  }
tec
execute0_lowered:
.L_overlay_start_1:
0x0: {  	(tag) =	ssettag $0x1  }
0x1: {  	s2 =	rddreg [dreg:$0x0]  }
0x2: {  	s8 =	rddreg [dreg:$0x1]  }
0x3: {  	s0 =	rddreg [dreg:$0x2];
	s1 =	stileid.u32  }
0x4: {  	s3 =	srdreg.scid;
	_ =	strace $0x8000004D;
	s4 =	simm.s32 $0x1  }
0x5: {  	s7 =	simm.s32 $0x1;
	s9 =	simm.s32 $0x1;
	s10 =	simm.s32 $0x3  }
0x6: {  	s13 =	simm.s32 $0x0;
	s5 =	sand.u32 $0x1, s3;
	s6 =	sshll.u32 s1, $0x1  }
0x7: {  	s12 =	simm.s32 $0x0;
	s3 =	sadd.s32 $0xB600, s8;
	s5 =	sor.u32 s6, s5  }
.Ltmp0:
0x8: {  	[sflag:s4] =	ssyncpa.u1 $0x0;
	p0 =	slt.u32 s5, $0x9;
	(pc) =	sbr.rel .LBB2_1-.Ltmp0, $4  }
0x9: {  	s6 =	simm.s32 $0x2;
	s7 =	simm.s32 @!p0 $0x0;
	p0 =	sne.s32 s5, $0x8  }
0xa: {  	[sflag:s6] =	ssyncpa.u1 $0x0;
	s5 =	smul.u32 $0xFA0, s5;
	s9 =	simm.s32 @!p0 $0x0  }
0xb: {  	s8 =	sadd.s32 $0x1A600, s8;
	[sflag:s10] =	ssyncpa.u1 $0x0;
	s7 =	sadd.s32 s9, s7  }
0xc: {  	vm0 =	vmmov $0xffff;
	s10 =	simm.s32 $0x0;
	s11 =	smov.u32 s5;
	s9 =	sadd.s32 $0x1, s7  }
.LBB2_4:
0xd: {  	v2 =	vnsel vm1, $0x0, v2  }
0xe: {  	vm1 =	vgt.s32 v0, $0x0;
	v2 =	vmin.u32 v2, $0x270FF  }
0xf: {  	v0 =	vnsel vm1, $0x0, v0  }
0x10: {  	v0 =	vmin.u32 v0, $0x270FF  }
0x11: {  	[tilespmem:s18], [sflag:$0x1] =	stream.indirect_vreg.gather [hbm4b:s2+s10], $0x1, v1, vm0, $0x4038;
	[tilespmem:$0x3E80] =	vst v63  }
0x12: {  	(ifvalue) =	ssetifvalue $0x7FFFFFFF  }
0x13: {  	[tilespmem:s15], [sflag:$0x1] =	stream.indirect_vreg.gather [hbm4b:s2+s10], $0x1, v2, vm0, $0x4038;
	[tilespmem:$0x3E80] =	vst v63  }
0x14: {  	s29 =	sadd.s32 $0x10, s15;
	(ifvalue) =	ssetifvalue $0x7FFFFFFF  }
0x15: {  	[tilespmem:s29], [sflag:$0x1] =	stream.indirect_vreg.gather [hbm4b:s2+s10], $0x1, v0, vm0, $0x4038;
	[tilespmem:$0x3E80] =	vst v63  }
0x16: {  	_ =	swait.ge [sflag:s4], $0xFA0  }
0x17: {  	s30 =	sshrl.u32 s13, $0x3;
	[sflag:s4] =	ssyncset.done $0x0  }
0x18: {  	s31 =	sand.u32 $0x7, s13;
	s15 =	sadd.s32 s8, s30;
	[sflag:s4] =	ssyncadd.s32 $0xFFFFF060  }
0x19: {  	[hbm4b:s15+s31] =	stream.linear.scatter [tilespmem:s14], [sflag:$0x3], $0xFA0, $0x38;
	[tilespmem:$0x3E80] =	vst v63  }
.LBB2_5:
0x1a: {  	s15 =	sadd.s32 $0x1F400, s11  }
0x1b: {  	p1 =	sgt.s32 s15, $0x270FF  }
0x1c: {  	s15 =	smov.u32 @p1 s5;
	p1 =	sne.s32 s12, s9  }
.Ltmp1:
0x1d: {  	p0 =	slt.u32 s12, $0x2;
	(pc) =	sbr.rel @!p1 .LBB2_6-.Ltmp1, $4  }
0x1e: {  	s14 =	simm.s32 @!p0 $0x3  }
0x1f: {  	_ =	swait.ge @!p0 [sflag:s14], $0xFA0  }
0x20: {  	s16 =	sadd.s32 $0x1, s12;
	s13 =	smov.u32 s11;
	[sflag:s14] =	ssyncset.done @!p0 $0x0  }
0x21: {  	s12 =	smov.u32 s16;
	s11 =	smov.u32 s15;
	[sflag:s14] =	ssyncadd.s32 @!p0 $0xFFFFF060  }
.LBB2_1:
0x22: {  	p0 =	sge.u32 s12, s7  }
0x23: {  	s14 =	sxor.u32 @!p0 $0x1, s12  }
0x24: {  	s14 =	smul.u32 @!p0 $0x3E80, s14  }
0x25: {  	s31 =	sadd.s32 $0xFFFFFFFF, s12;
	s15 =	sshrl.u32 @!p0 s11, $0x3  }
0x26: {  	s16 =	sand.u32 @!p0 $0x7, s11;
	s15 =	sadd.s32 @!p0 s3, s15;
	s14 =	sshra.s32 @!p0 s14, $0x2  }
0x27: {  	[tilespmem:s14], [sflag:$0x2] =	stream.linear.gather @!p0 [hbm4b:s15+s16], $0xFA0, $0x38;
	[tilespmem:$0x3E80] =	vst v63  }
0x28: {  	p0 =	sge.u32 s31, s7  }
.Ltmp2:
0x29: {  	_ = 	snop;
	(pc) =	sbr.rel @p0 .LBB2_5-.Ltmp2, $1  }
0x2a: {  	_ =	sdelay $0x3  }
0x2b: {  	s14 =	sand.u32 $0x1, s12  }
0x2c: {  	_ =	swait.ge [sflag:s6], $0xFA0;
	p0 =	seq.s32 s14, $0x1;
	s14 =	simm.s32 $0xFA0  }
0x2d: {  	[sflag:s6] =	ssyncset.done $0x0;
	s14 =	simm.s32 @!p0 $0x0  }
0x2e: {  	[sflag:s6] =	ssyncadd.s32 $0xFFFFF060;
	(ifvalue) =	ssetifvalue $0x7FFFFFFF;
	v0 =	vld.msk [tilespmem:s14+$0x0 ss:$0x1], $0xffff;
	_ =	sdelay $0x4  }
0x2f: {  	s15 =	sadd.s32 $0x10, s14;
	vm1 =	vgt.s32 v0, $0x0  }
0x30: {  	v2 =	vld.msk [tilespmem:s15+$0x0 ss:$0x1], $0xffff;
	v1 =	vnsel vm1, $0x0, v0  }
0x31: {  	v1 =	vmin.u32 v1, $0x270FF;
	_ =	sdelay $0x2  }
0x32: {  	s17 =	simm.s32 $0x20;
	s14 =	sadd.s32 $0x1F40, s14;
	s16 =	sadd.s32 $0x10, s15  }
0x33: {  	s15 =	sadd.s32 $0x10, s14;
	s18 =	smov.u32 s14;
	v0 =	vld.msk [tilespmem:s16+$0x0 ss:$0x1], $0xffff;
	vm1 =	vgt.s32 v2, $0x0;
	(ifvalue) =	ssetifvalue $0x7FFFFFFF  }
.LBB2_3:
0x34: {  	[tilespmem:s18], [sflag:$0x1] =	stream.indirect_vreg.gather [hbm4b:s2+s10], $0x1, v1, vm0, $0x4038;
	[tilespmem:$0x3E80] =	vst v63  }
0x35: {  	s17 =	sadd.s32 $0x10, s17  }
0x36: {  	v2 =	vnsel vm1, $0x0, v2;
	p0 =	slt.u32 s17, $0xF90  }
.Ltmp3:
0x37: {  	s18 =	smov.u32 s15;
	v1 =	vmin.u32 v2, $0x270FF;
	(pc) =	sbr.rel @p0 .LBB2_3-.Ltmp3, $3  }
0x38: {  	_ =	sdelay $0x1  }
0x39: {  	s16 =	sadd.s32 $0x10, s16  }
0x3a: {  	vm1 =	vgt.s32 v0, $0x0;
	s15 =	sadd.s32 $0x10, s15;
	v2 =	vmov v0;
	(ifvalue) =	ssetifvalue $0x7FFFFFFF;
	v0 =	vld.msk [tilespmem:s16+$0x0 ss:$0x1], $0xffff  }
.Ltmp4:
0x3b: {  	_ = 	snop;
	(pc) =	sbr.rel .LBB2_4-.Ltmp4, $1  }
0x3c: {  	_ =	sdelay $0x3  }
.LBB2_6:
0x3d: {  	_ =	sfence.sel $0x180000  }
0x3e: {  	s2 =	simm.s32 $0x2;
	[bflag:$0x0] =	sbarrier.arrive $0xFFFF  }
0x3f: {  	s30 =	simm.s32 $0x3;
	[sflag:s2] =	ssyncpa.u1 $0x1  }
0x40: {  	s31 =	simm.s32 $0x1;
	[sflag:s30] =	ssyncpa.u1 $0x1  }
0x41: {  	[sflag:s31] =	ssyncpa.u1 $0x1  }
0x42: {  	p0 =	sne.s32 s1, $0x0;
	_ =	strace $0x9000004D  }
0x43: {  	s0 =	sadd.s32 @!p0 $0x100000, s0;
	[bflag:$0x2] =	sbarrier.arrive $0xFFFF  }
0x44: {  	[sflag:s0] =	ssyncadd.tile.s32 @!p0 $0x1;
	_ =	shalt  }
.Lfunc_end2:
_tile_overlayer_lowered:
.L_overlay_start_2:
0x45: {  	(tag) =	ssettag $0x2  }
0x46: {  	s0 =	rddreg [dreg:$0x0];
	s2 =	stileid.u32  }
0x47: {  	s1 =	rddreg [dreg:$0x1];
	p0 =	sne.s32 s2, $0x0  }
0x48: {  	s3 =	rddreg [dreg:$0x2];
	[bflag:$0x3] =	sbarrier.arrive $0xFFFF;
	s2 =	simm.s32 @!p0 $0x1C01  }
0x49: {  	[timem:s3], [sflag:s2] =	dma.local @!p0 [hbm:s0], s1  }
0x4a: {  	s0 =	simm.s32 @!p0 $0x1  }
0x4b: {  	_ =	swait.ge @!p0 [sflag:s0], s1  }
0x4c: {  	s1 =	ssub.s32 @!p0 $0x0, s1;
	[sflag:s0] =	ssyncset.done @!p0 $0x0  }
0x4d: {  	[sflag:s0] =	ssyncadd.s32 @!p0 s1  }
0x4e: {  	[bflag:$0x3] =	sbarrier.arrive $0xFFFF  }
0x4f: {  	_ =	shalt  }

// kernel: gather_offload_async_start
scs
__scs_entry_jumppad:
0x0: {  	(pc) =	sbr.rel $0x88, $3  }
0x1: {  	(tag) =	ssettag $0x0;
	lr =	simm.s32 $0x1  }
0x2: {  	[smem:$0x3F96] =	sst lr;
	_ =	strace $0xD0000000  }
0x3: {  	_ = 	snop  }
0x4: {  	_ = 	snop  }
0x5: {  	_ = 	snop  }
0x6: {  	_ = 	snop  }
0x7: {  	_ = 	snop  }
__scs_overlays_trampoline_lowered:
0x8: {  	[smem:$0x3FA5] =	sst s0  }
0x9: {  	[smem:$0x3FA6] =	sst s1  }
0xa: {  	[smem:$0x3FA7] =	sst s2  }
0xb: {  	[smem:$0x3FA8] =	sst s3  }
0xc: {  	[smem:$0x3FA9] =	sst s4  }
0xd: {  	[smem:$0x3FAA] =	sst s5  }
0xe: {  	[smem:$0x3FAB] =	sst s6  }
0xf: {  	[smem:$0x3FAC] =	sst s7  }
0x10: {  	[smem:$0x3FAD] =	sst s8  }
0x11: {  	[smem:$0x3FAE] =	sst s9;
	s0 =	simm.s32 @!p0 $0x0  }
0x12: {  	s1 =	sld [smem:$0x3F94];
	s0 =	simm.s32 @p0 $0x1  }
0x13: {  	[smem:$0x3FAF] =	sst s0;
	s0 =	simm.s32 @!p1 $0x0  }
0x14: {  	s2 =	sld [smem:$0x3F93];
	s0 =	simm.s32 @p1 $0x1  }
0x15: {  	[smem:$0x3FB0] =	sst s0;
	s0 =	simm.s32 @!p2 $0x0  }
0x16: {  	s3 =	sld [smem:$0x3FDB];
	s0 =	simm.s32 @p2 $0x1  }
0x17: {  	s4 =	simm.s32 $0x1BF5;
	[smem:$0x3FB2] =	sst s0  }
0x18: {  	s0 =	sld [smem:$0x3F95];
	_ =	swait.ge [sflag:s4], $0x0  }
0x19: {  	s7 =	sld [smem:$0x3F96]  }
0x1a: {  	s8 =	sadd.s32 $0xFFFFE003, lr  }
0x1b: {  	s9 =	sadd.s32 $0xFFFFFEF7, lr;
	s5 =	simm.s32 $0xFFFFFFFF;
	p2 =	slt.u32 s8, $0xFFFFF086  }
0x1c: {  	p1 =	slt.u32 s9, $0xF7A;
	s5 =	simm.s32 @!p2 $0x0  }
0x1d: {  	s5 =	simm.s32 @p1 $0x1;
	p0 =	seq.s32 s7, s2  }
0x1e: {  	s7 =	smul.u32 @!p0 $0xF7A, s2;
	p2 =	seq.s32 @!p0 s5, $0x0  }
0x1f: {  	s9 =	smul.u32 $0xF7A, s1;
	s8 =	simm.s32 @!p0 $0x1BF5;
	p2 =	por !p2, p0  }
0x20: {  	[sflag:s8] =	ssyncset.s32 @!p0 $0xFFFFF086;
	s6 =	sadd.s32 @!p0 s3, s7;
	s7 =	simm.s32 @!p0 $0x108  }
0x21: {  	s3 =	sadd.s32 s3, s9;
	s6 =	sadd.s32 @!p0 $0x88, s6;
	s7 =	simm.s32 @p2 $0x1082  }
0x22: {  	[simem:s7], [sflag:s8] =	dma.local @!p0 [hbm:s6], $0xF7A  }
0x23: {  	s9 =	sor.u32 $0xD0000000, s2;
	s6 =	simm.s32 $0x108;
	_ =	swait.ge @!p0 [sflag:s8], $0x0  }
0x24: {  	s3 =	sadd.s32 $0x88, s3;
	s6 =	simm.s32 @!p1 $0x1082;
	[sflag:s4] =	ssyncset.s32 $0xFFFFF086  }
0x25: {  	[simem:s6], [sflag:s4] =	dma.local [hbm:s3], $0xF7A  }
0x26: {  	[smem:$0x3F96] =	sst s1;
	(tag) =	ssettag s2;
	_ =	strace s9  }
0x27: {  	s1 =	sld [smem:$0x3FA6]  }
0x28: {  	s2 =	sld [smem:$0x3FA7]  }
0x29: {  	s4 =	sld [smem:$0x3FA9]  }
0x2a: {  	p0 =	seq.s32 s5, $0x0;
	s5 =	sld [smem:$0x3FAA]  }
0x2b: {  	s6 =	sld [smem:$0x3FAB]  }
0x2c: {  	s7 =	sld [smem:$0x3FAC]  }
0x2d: {  	s3 =	simm.s32 $0x108;
	s8 =	sld [smem:$0x3FAD]  }
0x2e: {  	s3 =	simm.s32 @!p0 $0x1082;
	s9 =	sld [smem:$0x3FAE]  }
0x2f: {  	lr =	sadd.s32 s0, s3;
	s0 =	sld [smem:$0x3FA5]  }
0x30: {  	s3 =	sld [smem:$0x3FA8]  }
0x31: {  	[smem:$0x3FB1] =	sst s10  }
0x32: {  	s10 =	sld [smem:$0x3FAF];
	_ =	sdelay $0x3  }
0x33: {  	p0 =	seq.s32 s10, $0x1;
	s10 =	sld [smem:$0x3FB1];
	_ =	sdelay $0x3  }
0x34: {  	[smem:$0x3FB1] =	sst s10  }
0x35: {  	s10 =	sld [smem:$0x3FB0];
	_ =	sdelay $0x3  }
0x36: {  	p1 =	seq.s32 s10, $0x1;
	s10 =	sld [smem:$0x3FB1];
	_ =	sdelay $0x3  }
0x37: {  	[smem:$0x3FB1] =	sst s10  }
0x38: {  	s10 =	sld [smem:$0x3FB2]  }
0x39: {  	_ = 	snop;
	(pc) =	sbr.ind lr, $3  }
0x3a: {  	_ = 	snop  }
0x3b: {  	_ = 	snop  }
0x3c: {  	p2 =	seq.s32 s10, $0x1;
	s10 =	sld [smem:$0x3FB1]  }
0x3d: {  	_ =	shalt  }
0x3e: {  	_ =	shalt  }
0x3f: {  	_ =	shalt  }
0x40: {  	_ =	shalt  }
0x41: {  	_ =	shalt  }
0x42: {  	_ =	shalt  }
0x43: {  	_ =	shalt  }
0x44: {  	_ =	shalt  }
0x45: {  	_ =	shalt  }
0x46: {  	_ =	shalt  }
0x47: {  	_ =	shalt  }
0x48: {  	_ =	shalt  }
0x49: {  	_ =	shalt  }
0x4a: {  	_ =	shalt  }
0x4b: {  	_ =	shalt  }
0x4c: {  	_ =	shalt  }
0x4d: {  	_ =	shalt  }
0x4e: {  	_ =	shalt  }
0x4f: {  	_ =	shalt  }
0x50: {  	_ =	shalt  }
0x51: {  	_ =	shalt  }
0x52: {  	_ =	shalt  }
0x53: {  	_ =	shalt  }
0x54: {  	_ =	shalt  }
0x55: {  	_ =	shalt  }
0x56: {  	_ =	shalt  }
0x57: {  	_ =	shalt  }
0x58: {  	_ =	shalt  }
0x59: {  	_ =	shalt  }
0x5a: {  	_ =	shalt  }
0x5b: {  	_ =	shalt  }
0x5c: {  	_ =	shalt  }
0x5d: {  	_ =	shalt  }
0x5e: {  	_ =	shalt  }
0x5f: {  	_ =	shalt  }
0x60: {  	_ =	shalt  }
0x61: {  	_ =	shalt  }
0x62: {  	_ =	shalt  }
0x63: {  	_ =	shalt  }
0x64: {  	_ =	shalt  }
0x65: {  	_ =	shalt  }
0x66: {  	_ =	shalt  }
0x67: {  	_ =	shalt  }
0x68: {  	_ =	shalt  }
0x69: {  	_ =	shalt  }
0x6a: {  	_ =	shalt  }
0x6b: {  	_ =	shalt  }
0x6c: {  	_ =	shalt  }
0x6d: {  	_ =	shalt  }
0x6e: {  	_ =	shalt  }
0x6f: {  	_ =	shalt  }
0x70: {  	_ =	shalt  }
0x71: {  	_ =	shalt  }
0x72: {  	_ =	shalt  }
0x73: {  	_ =	shalt  }
0x74: {  	_ =	shalt  }
0x75: {  	_ =	shalt  }
0x76: {  	_ =	shalt  }
0x77: {  	_ =	shalt  }
0x78: {  	_ =	shalt  }
0x79: {  	_ =	shalt  }
0x7a: {  	_ =	shalt  }
0x7b: {  	_ =	shalt  }
0x7c: {  	_ =	shalt  }
0x7d: {  	_ =	shalt  }
0x7e: {  	_ =	shalt  }
0x7f: {  	_ =	shalt  }
0x80: {  	_ =	shalt  }
0x81: {  	_ =	shalt  }
0x82: {  	_ =	shalt  }
0x83: {  	_ =	shalt  }
0x84: {  	_ =	shalt  }
0x85: {  	_ =	shalt  }
0x86: {  	_ =	shalt  }
0x87: {  	_ =	shalt  }
.Lfunc_end0:
.L_simem_size_0:
called_computation_lowered:
.L_overlay_start_0:
0x88: {  	s2 =	sld [smem:$0x3FD9]  }
0x89: {  	s3 =	sld [smem:$0x3FFE];
	_ =	sdelay $0x1  }
0x8a: {  	s1 =	srdreg.scid  }
0x8b: {  	s0 =	sand.u32 $0x1, s1  }
0x8c: {  	s17 =	sshll.u32 s0, $0xA;
	s2 =	sadd.s32 s3, s2  }
0x8d: {  	s2 =	sadd.s32 s2, s17  }
0x8e: {  	[smem:$0x3FBD] =	sst s2  }
0x8f: {  	_ = 	snop  }
0x90: {  	(tm) =	ssettm $0x1  }
0x91: {  	s18 =	sld [smem:$0x3FFB];
	_ =	sdelay $0x3  }
0x92: {  	_ =	strace s18  }
0x93: {  	s2 =	sld [smem:$0x3FFC];
	_ =	sdelay $0x3  }
0x94: {  	_ =	strace s2  }
0x95: {  	s2 =	sld [smem:$0x3FFD];
	_ =	sdelay $0x3  }
0x96: {  	_ =	strace s2  }
0x97: {  	_ =	strace $0x8FFFFFFF  }
0x98: {  	s19 =	sld [smem:$0x3FDB];
	_ =	sdelay $0x1  }
0x99: {  	s20 =	simm.s32 $_scs_section_size  }
0x9a: {  	s4 =	simm.s32 $_size__tile_overlayer_lowered;
	s5 =	simm.s32 $_tile_overlayer_lowered  }
0x9b: {  	s6 =	simm.s32 $0x1BFF;
	s21 =	sshll.u32 s5, $0x1;
	s3 =	sadd.s32 s20, s19  }
0x9c: {  	s22 =	simm.s32 $0x0;
	s4 =	sshll.u32 s4, $0x1;
	s5 =	sadd.s32 s21, s3  }
0x9d: {  	[timem:s22], [sflag:s6] =	dma.local [hbm:s5], s4  }
0x9e: {  	_ =	swait.ge [sflag:s6], s4  }
0x9f: {  	s4 =	ssub.s32 $0x0, s4;
	[sflag:s6] =	ssyncset.done $0x0  }
0xa0: {  	[sflag:s6] =	ssyncadd.s32 s4;
	_ =	sdelay $0x1  }
0xa1: {  	s23 =	simm.s32 $0x1B8B  }
0xa2: {  	_ =	swait.ge [sflag:s23], $0x1  }
0xa3: {  	[sflag:s23] =	ssyncset.done $0x0  }
0xa4: {  	[sflag:s23] =	ssyncadd.s32 $0xFFFFFFFF  }
0xa5: {  	s4 =	sld [smem:$0x0]  }
0xa6: {  	s5 =	sand.u32 $0xFFFFFFFE, s1  }
0xa7: {  	p0 =	sne.s32 s1, s5  }
0xa8: {  	s5 =	sshll.u32 @p0 s5, $0xE  }
0xa9: {  	s5 =	sadd.s32 @p0 $0x11B8D, s5;
	s6 =	sshll.u32 @p0 s4, $0x11  }
0xaa: {  	s5 =	sor.u32 @p0 s6, s5  }
0xab: {  	[sflag:s5] =	ssyncadd.remote.s32 @p0 $0x1;
	_ =	sdelay $0x1  }
0xac: {  	s5 =	simm.s32 @p0 $0x1B8D  }
0xad: {  	_ =	swait.eq @p0 [sflag:s5], $0x1  }
0xae: {  	[sflag:s5] =	ssyncadd.s32 @p0 $0xFFFFFFFF  }
0xaf: {  	s6 =	sshll.u32 @!p0 s1, $0xE  }
0xb0: {  	s6 =	sor.u32 @!p0 $0x4000, s6;
	s5 =	simm.s32 @!p0 $0x1B8D  }
0xb1: {  	s4 =	sshll.u32 @!p0 s4, $0x11;
	s6 =	sadd.s32 @!p0 $0x11B8D, s6;
	_ =	swait.eq @!p0 [sflag:s5], $0x1  }
0xb2: {  	s4 =	sor.u32 @!p0 s4, s6;
	[sflag:s5] =	ssyncadd.s32 @!p0 $0xFFFFFFFF  }
0xb3: {  	s25 =	simm.s32 $0x1B8E;
	s24 =	sld [smem:$0x3FFE];
	[sflag:s4] =	ssyncadd.remote.s32 @!p0 $0x1  }
0xb4: {  	s26 =	simm.s32 $execute0_lowered;
	[smem:$0x3FD2] =	sst s25  }
0xb5: {  	s5 =	sshll.u32 s26, $0x1;
	_ =	strace $0x80000049;
	[dreg:$0x1] =	wrdreg $0xFFFFFFFF  }
0xb6: {  	s28 =	simm.s32 $_size_execute0_lowered;
	s3 =	sadd.s32 s3, s5;
	[dreg:$0x0] =	wrdreg $0x0  }
0xb7: {  	s5 =	sshll.u32 s28, $0x1;
	[dreg:$0x2] =	wrdreg s3  }
0xb8: {  	[dreg:$0x3] =	wrdreg s5  }
0xb9: {  	[dreg:$0x4] =	wrdreg $0xC0  }
0xba: {  	_ =	task [dreg:s22], $0x5FFFF  }
0xbb: {  	[dreg:$0x1] =	wrdreg $0xFFFFFFFF  }
0xbc: {  	[dreg:$0x0] =	wrdreg $0x60  }
0xbd: {  	[dreg:$0x2] =	wrdreg s24  }
0xbe: {  	[dreg:$0x3] =	wrdreg $0x9  }
0xbf: {  	_ =	task.clear_ibuf [dreg:s22], $0x4FFFF;
	_ =	strace $0x90000049  }
0xc0: {  	s29 =	simm.s32 $0x9;
	_ =	strace $0x8000004B  }
0xc1: {  	_ =	swait.ge [sflag:s29], $0x1  }
0xc2: {  	[sflag:s29] =	ssyncadd.s32 $0xFFFFFFFF  }
0xc3: {  	_ =	strace $0x9000004B  }
0xc4: {  	_ =	sfence  }
0xc5: {  	s30 =	sld [smem:$0x0];
	_ =	sdelay $0x2  }
0xc6: {  	s31 =	sshll.u32 s1, $0xD;
	s1 =	sshrl.u32 s1, $0x2  }
0xc7: {  	s4 =	sand.u32 $0x4000, s31;
	s1 =	sadd.s32 s1, s30  }
0xc8: {  	s0 =	sor.u32 s4, s0;
	s1 =	sshll.u32 s1, $0x11  }
0xc9: {  	s0 =	sor.u32 s1, s0  }
0xca: {  	s0 =	sadd.s32 $0x8F2B, s0  }
0xcb: {  	[sflag:s0] =	ssyncadd.remote.s32 $0x1  }
0xcc: {  	_ =	sfence.sel $0xFFFF  }
0xcd: {  	[dreg:$0x0] =	wrdreg $0xFFFFFFFF;
	(pc) =	sbr.abs _section_cstart, $3  }
0xce: {  	[dreg:$0x1] =	wrdreg $0xFFFFFFFF  }
0xcf: {  	_ =	task.clear_ibuf [dreg:s22], $0x2FFFF;
	_ =	strace $0x9FFFFFFF  }
0xd0: {  	(tm) =	ssettm $0x7FFFFFFF  }
0xd1: {  	_ =	shalt  }
tec
execute0_lowered:
.L_overlay_start_1:
0x0: {  	(tag) =	ssettag $0x1  }
0x1: {  	s8 =	rddreg [dreg:$0x0]  }
0x2: {  	s0 =	rddreg [dreg:$0x1];
	_ =	strace $0x8000004A;
	s1 =	stileid.u32  }
0x3: {  	s3 =	srdreg.scid;
	s4 =	simm.s32 $0x1;
	s7 =	simm.s32 $0x1  }
0x4: {  	s9 =	simm.s32 $0x1;
	s10 =	simm.s32 $0x3;
	s13 =	simm.s32 $0x0  }
0x5: {  	s12 =	simm.s32 $0x0;
	s5 =	sand.u32 $0x1, s3;
	s6 =	sshll.u32 s1, $0x1  }
0x6: {  	s2 =	sadd.s32 $0x6600, s8;
	s3 =	sadd.s32 $0xB600, s8;
	s5 =	sor.u32 s6, s5  }
.Ltmp0:
0x7: {  	[sflag:s4] =	ssyncpa.u1 $0x0;
	p0 =	slt.u32 s5, $0x9;
	(pc) =	sbr.rel .LBB2_1-.Ltmp0, $4  }
0x8: {  	s6 =	simm.s32 $0x2;
	s7 =	simm.s32 @!p0 $0x0;
	p0 =	sne.s32 s5, $0x8  }
0x9: {  	[sflag:s6] =	ssyncpa.u1 $0x0;
	s5 =	smul.u32 $0xFA0, s5;
	s9 =	simm.s32 @!p0 $0x0  }
0xa: {  	s8 =	sadd.s32 $0x15600, s8;
	[sflag:s10] =	ssyncpa.u1 $0x0;
	s7 =	sadd.s32 s9, s7  }
0xb: {  	vm0 =	vmmov $0xffff;
	s10 =	simm.s32 $0x0;
	s11 =	smov.u32 s5;
	s9 =	sadd.s32 $0x1, s7  }
.LBB2_4:
0xc: {  	v2 =	vnsel vm1, $0x0, v2  }
0xd: {  	vm1 =	vgt.s32 v0, $0x0;
	v2 =	vmin.u32 v2, $0x270FF  }
0xe: {  	v0 =	vnsel vm1, $0x0, v0  }
0xf: {  	v0 =	vmin.u32 v0, $0x270FF  }
0x10: {  	[tilespmem:s18], [sflag:$0x1] =	stream.indirect_vreg.gather [hbm4b:s2+s10], $0x1, v1, vm0, $0x4038;
	[tilespmem:$0x3E80] =	vst v63  }
0x11: {  	(ifvalue) =	ssetifvalue $0x7FFFFFFF  }
0x12: {  	[tilespmem:s15], [sflag:$0x1] =	stream.indirect_vreg.gather [hbm4b:s2+s10], $0x1, v2, vm0, $0x4038;
	[tilespmem:$0x3E80] =	vst v63  }
0x13: {  	s29 =	sadd.s32 $0x10, s15;
	(ifvalue) =	ssetifvalue $0x7FFFFFFF  }
0x14: {  	[tilespmem:s29], [sflag:$0x1] =	stream.indirect_vreg.gather [hbm4b:s2+s10], $0x1, v0, vm0, $0x4038;
	[tilespmem:$0x3E80] =	vst v63  }
0x15: {  	_ =	swait.ge [sflag:s4], $0xFA0  }
0x16: {  	s30 =	sshrl.u32 s13, $0x3;
	[sflag:s4] =	ssyncset.done $0x0  }
0x17: {  	s31 =	sand.u32 $0x7, s13;
	s15 =	sadd.s32 s8, s30;
	[sflag:s4] =	ssyncadd.s32 $0xFFFFF060  }
0x18: {  	[hbm4b:s15+s31] =	stream.linear.scatter [tilespmem:s14], [sflag:$0x3], $0xFA0, $0x38;
	[tilespmem:$0x3E80] =	vst v63  }
.LBB2_5:
0x19: {  	s15 =	sadd.s32 $0x1F400, s11  }
0x1a: {  	p1 =	sgt.s32 s15, $0x270FF  }
0x1b: {  	s15 =	smov.u32 @p1 s5;
	p1 =	sne.s32 s12, s9  }
.Ltmp1:
0x1c: {  	p0 =	slt.u32 s12, $0x2;
	(pc) =	sbr.rel @!p1 .LBB2_6-.Ltmp1, $4  }
0x1d: {  	s14 =	simm.s32 @!p0 $0x3  }
0x1e: {  	_ =	swait.ge @!p0 [sflag:s14], $0xFA0  }
0x1f: {  	s16 =	sadd.s32 $0x1, s12;
	s13 =	smov.u32 s11;
	[sflag:s14] =	ssyncset.done @!p0 $0x0  }
0x20: {  	s12 =	smov.u32 s16;
	s11 =	smov.u32 s15;
	[sflag:s14] =	ssyncadd.s32 @!p0 $0xFFFFF060  }
.LBB2_1:
0x21: {  	p0 =	sge.u32 s12, s7  }
0x22: {  	s14 =	sxor.u32 @!p0 $0x1, s12  }
0x23: {  	s14 =	smul.u32 @!p0 $0x3E80, s14  }
0x24: {  	s31 =	sadd.s32 $0xFFFFFFFF, s12;
	s15 =	sshrl.u32 @!p0 s11, $0x3  }
0x25: {  	s16 =	sand.u32 @!p0 $0x7, s11;
	s15 =	sadd.s32 @!p0 s3, s15;
	s14 =	sshra.s32 @!p0 s14, $0x2  }
0x26: {  	[tilespmem:s14], [sflag:$0x2] =	stream.linear.gather @!p0 [hbm4b:s15+s16], $0xFA0, $0x38;
	[tilespmem:$0x3E80] =	vst v63  }
0x27: {  	p0 =	sge.u32 s31, s7  }
.Ltmp2:
0x28: {  	_ = 	snop;
	(pc) =	sbr.rel @p0 .LBB2_5-.Ltmp2, $1  }
0x29: {  	_ =	sdelay $0x3  }
0x2a: {  	s14 =	sand.u32 $0x1, s12  }
0x2b: {  	_ =	swait.ge [sflag:s6], $0xFA0;
	p0 =	seq.s32 s14, $0x1;
	s14 =	simm.s32 $0xFA0  }
0x2c: {  	[sflag:s6] =	ssyncset.done $0x0;
	s14 =	simm.s32 @!p0 $0x0  }
0x2d: {  	[sflag:s6] =	ssyncadd.s32 $0xFFFFF060;
	(ifvalue) =	ssetifvalue $0x7FFFFFFF;
	v0 =	vld.msk [tilespmem:s14+$0x0 ss:$0x1], $0xffff;
	_ =	sdelay $0x4  }
0x2e: {  	s15 =	sadd.s32 $0x10, s14;
	vm1 =	vgt.s32 v0, $0x0  }
0x2f: {  	v2 =	vld.msk [tilespmem:s15+$0x0 ss:$0x1], $0xffff;
	v1 =	vnsel vm1, $0x0, v0  }
0x30: {  	v1 =	vmin.u32 v1, $0x270FF;
	_ =	sdelay $0x2  }
0x31: {  	s17 =	simm.s32 $0x20;
	s14 =	sadd.s32 $0x1F40, s14;
	s16 =	sadd.s32 $0x10, s15  }
0x32: {  	s15 =	sadd.s32 $0x10, s14;
	s18 =	smov.u32 s14;
	v0 =	vld.msk [tilespmem:s16+$0x0 ss:$0x1], $0xffff;
	vm1 =	vgt.s32 v2, $0x0;
	(ifvalue) =	ssetifvalue $0x7FFFFFFF  }
.LBB2_3:
0x33: {  	[tilespmem:s18], [sflag:$0x1] =	stream.indirect_vreg.gather [hbm4b:s2+s10], $0x1, v1, vm0, $0x4038;
	[tilespmem:$0x3E80] =	vst v63  }
0x34: {  	s17 =	sadd.s32 $0x10, s17  }
0x35: {  	v2 =	vnsel vm1, $0x0, v2;
	p0 =	slt.u32 s17, $0xF90  }
.Ltmp3:
0x36: {  	s18 =	smov.u32 s15;
	v1 =	vmin.u32 v2, $0x270FF;
	(pc) =	sbr.rel @p0 .LBB2_3-.Ltmp3, $3  }
0x37: {  	_ =	sdelay $0x1  }
0x38: {  	s16 =	sadd.s32 $0x10, s16  }
0x39: {  	vm1 =	vgt.s32 v0, $0x0;
	s15 =	sadd.s32 $0x10, s15;
	v2 =	vmov v0;
	(ifvalue) =	ssetifvalue $0x7FFFFFFF;
	v0 =	vld.msk [tilespmem:s16+$0x0 ss:$0x1], $0xffff  }
.Ltmp4:
0x3a: {  	_ = 	snop;
	(pc) =	sbr.rel .LBB2_4-.Ltmp4, $1  }
0x3b: {  	_ =	sdelay $0x3  }
.LBB2_6:
0x3c: {  	_ =	sfence.sel $0x180000  }
0x3d: {  	s2 =	simm.s32 $0x2;
	[bflag:$0x0] =	sbarrier.arrive $0xFFFF  }
0x3e: {  	s30 =	simm.s32 $0x3;
	[sflag:s2] =	ssyncpa.u1 $0x1  }
0x3f: {  	s31 =	simm.s32 $0x1;
	[sflag:s30] =	ssyncpa.u1 $0x1  }
0x40: {  	[sflag:s31] =	ssyncpa.u1 $0x1  }
0x41: {  	p0 =	sne.s32 s1, $0x0;
	_ =	strace $0x9000004A  }
0x42: {  	s0 =	sadd.s32 @!p0 $0x100000, s0;
	[bflag:$0x2] =	sbarrier.arrive $0xFFFF  }
0x43: {  	[sflag:s0] =	ssyncadd.tile.s32 @!p0 $0x1;
	_ =	shalt  }
.Lfunc_end2:
_tile_overlayer_lowered:
.L_overlay_start_2:
0x44: {  	(tag) =	ssettag $0x2  }
0x45: {  	s0 =	rddreg [dreg:$0x0];
	s2 =	stileid.u32  }
0x46: {  	s1 =	rddreg [dreg:$0x1];
	p0 =	sne.s32 s2, $0x0  }
0x47: {  	s3 =	rddreg [dreg:$0x2];
	[bflag:$0x3] =	sbarrier.arrive $0xFFFF;
	s2 =	simm.s32 @!p0 $0x1C01  }
0x48: {  	[timem:s3], [sflag:s2] =	dma.local @!p0 [hbm:s0], s1  }
0x49: {  	s0 =	simm.s32 @!p0 $0x1  }
0x4a: {  	_ =	swait.ge @!p0 [sflag:s0], s1  }
0x4b: {  	s1 =	ssub.s32 @!p0 $0x0, s1;
	[sflag:s0] =	ssyncset.done @!p0 $0x0  }
0x4c: {  	[sflag:s0] =	ssyncadd.s32 @!p0 s1  }
0x4d: {  	[bflag:$0x3] =	sbarrier.arrive $0xFFFF  }
0x4e: {  	_ =	shalt  }

// kernel: kernel.6.cloned.1.call-start
scs
__scs_entry_jumppad:
0x0: {  	(pc) =	sbr.rel $0x88, $3  }
0x1: {  	(tag) =	ssettag $0x0;
	lr =	simm.s32 $0x1  }
0x2: {  	[smem:$0x3F96] =	sst lr;
	_ =	strace $0xD0000000  }
0x3: {  	_ = 	snop  }
0x4: {  	_ = 	snop  }
0x5: {  	_ = 	snop  }
0x6: {  	_ = 	snop  }
0x7: {  	_ = 	snop  }
__scs_overlays_trampoline_lowered:
0x8: {  	[smem:$0x3FA5] =	sst s0  }
0x9: {  	[smem:$0x3FA6] =	sst s1  }
0xa: {  	[smem:$0x3FA7] =	sst s2  }
0xb: {  	[smem:$0x3FA8] =	sst s3  }
0xc: {  	[smem:$0x3FA9] =	sst s4  }
0xd: {  	[smem:$0x3FAA] =	sst s5  }
0xe: {  	[smem:$0x3FAB] =	sst s6  }
0xf: {  	[smem:$0x3FAC] =	sst s7  }
0x10: {  	[smem:$0x3FAD] =	sst s8  }
0x11: {  	[smem:$0x3FAE] =	sst s9;
	s0 =	simm.s32 @!p0 $0x0  }
0x12: {  	s1 =	sld [smem:$0x3F94];
	s0 =	simm.s32 @p0 $0x1  }
0x13: {  	[smem:$0x3FAF] =	sst s0;
	s0 =	simm.s32 @!p1 $0x0  }
0x14: {  	s2 =	sld [smem:$0x3F93];
	s0 =	simm.s32 @p1 $0x1  }
0x15: {  	[smem:$0x3FB0] =	sst s0;
	s0 =	simm.s32 @!p2 $0x0  }
0x16: {  	s3 =	sld [smem:$0x3FDB];
	s0 =	simm.s32 @p2 $0x1  }
0x17: {  	s4 =	simm.s32 $0x1BF5;
	[smem:$0x3FB2] =	sst s0  }
0x18: {  	s0 =	sld [smem:$0x3F95];
	_ =	swait.ge [sflag:s4], $0x0  }
0x19: {  	s7 =	sld [smem:$0x3F96]  }
0x1a: {  	s8 =	sadd.s32 $0xFFFFE003, lr  }
0x1b: {  	s9 =	sadd.s32 $0xFFFFFEF7, lr;
	s5 =	simm.s32 $0xFFFFFFFF;
	p2 =	slt.u32 s8, $0xFFFFF086  }
0x1c: {  	p1 =	slt.u32 s9, $0xF7A;
	s5 =	simm.s32 @!p2 $0x0  }
0x1d: {  	s5 =	simm.s32 @p1 $0x1;
	p0 =	seq.s32 s7, s2  }
0x1e: {  	s7 =	smul.u32 @!p0 $0xF7A, s2;
	p2 =	seq.s32 @!p0 s5, $0x0  }
0x1f: {  	s9 =	smul.u32 $0xF7A, s1;
	s8 =	simm.s32 @!p0 $0x1BF5;
	p2 =	por !p2, p0  }
0x20: {  	[sflag:s8] =	ssyncset.s32 @!p0 $0xFFFFF086;
	s6 =	sadd.s32 @!p0 s3, s7;
	s7 =	simm.s32 @!p0 $0x108  }
0x21: {  	s3 =	sadd.s32 s3, s9;
	s6 =	sadd.s32 @!p0 $0x88, s6;
	s7 =	simm.s32 @p2 $0x1082  }
0x22: {  	[simem:s7], [sflag:s8] =	dma.local @!p0 [hbm:s6], $0xF7A  }
0x23: {  	s9 =	sor.u32 $0xD0000000, s2;
	s6 =	simm.s32 $0x108;
	_ =	swait.ge @!p0 [sflag:s8], $0x0  }
0x24: {  	s3 =	sadd.s32 $0x88, s3;
	s6 =	simm.s32 @!p1 $0x1082;
	[sflag:s4] =	ssyncset.s32 $0xFFFFF086  }
0x25: {  	[simem:s6], [sflag:s4] =	dma.local [hbm:s3], $0xF7A  }
0x26: {  	[smem:$0x3F96] =	sst s1;
	(tag) =	ssettag s2;
	_ =	strace s9  }
0x27: {  	s1 =	sld [smem:$0x3FA6]  }
0x28: {  	s2 =	sld [smem:$0x3FA7]  }
0x29: {  	s4 =	sld [smem:$0x3FA9]  }
0x2a: {  	p0 =	seq.s32 s5, $0x0;
	s5 =	sld [smem:$0x3FAA]  }
0x2b: {  	s6 =	sld [smem:$0x3FAB]  }
0x2c: {  	s7 =	sld [smem:$0x3FAC]  }
0x2d: {  	s3 =	simm.s32 $0x108;
	s8 =	sld [smem:$0x3FAD]  }
0x2e: {  	s3 =	simm.s32 @!p0 $0x1082;
	s9 =	sld [smem:$0x3FAE]  }
0x2f: {  	lr =	sadd.s32 s0, s3;
	s0 =	sld [smem:$0x3FA5]  }
0x30: {  	s3 =	sld [smem:$0x3FA8]  }
0x31: {  	[smem:$0x3FB1] =	sst s10  }
0x32: {  	s10 =	sld [smem:$0x3FAF];
	_ =	sdelay $0x3  }
0x33: {  	p0 =	seq.s32 s10, $0x1;
	s10 =	sld [smem:$0x3FB1];
	_ =	sdelay $0x3  }
0x34: {  	[smem:$0x3FB1] =	sst s10  }
0x35: {  	s10 =	sld [smem:$0x3FB0];
	_ =	sdelay $0x3  }
0x36: {  	p1 =	seq.s32 s10, $0x1;
	s10 =	sld [smem:$0x3FB1];
	_ =	sdelay $0x3  }
0x37: {  	[smem:$0x3FB1] =	sst s10  }
0x38: {  	s10 =	sld [smem:$0x3FB2]  }
0x39: {  	_ = 	snop;
	(pc) =	sbr.ind lr, $3  }
0x3a: {  	_ = 	snop  }
0x3b: {  	_ = 	snop  }
0x3c: {  	p2 =	seq.s32 s10, $0x1;
	s10 =	sld [smem:$0x3FB1]  }
0x3d: {  	_ =	shalt  }
0x3e: {  	_ =	shalt  }
0x3f: {  	_ =	shalt  }
0x40: {  	_ =	shalt  }
0x41: {  	_ =	shalt  }
0x42: {  	_ =	shalt  }
0x43: {  	_ =	shalt  }
0x44: {  	_ =	shalt  }
0x45: {  	_ =	shalt  }
0x46: {  	_ =	shalt  }
0x47: {  	_ =	shalt  }
0x48: {  	_ =	shalt  }
0x49: {  	_ =	shalt  }
0x4a: {  	_ =	shalt  }
0x4b: {  	_ =	shalt  }
0x4c: {  	_ =	shalt  }
0x4d: {  	_ =	shalt  }
0x4e: {  	_ =	shalt  }
0x4f: {  	_ =	shalt  }
0x50: {  	_ =	shalt  }
0x51: {  	_ =	shalt  }
0x52: {  	_ =	shalt  }
0x53: {  	_ =	shalt  }
0x54: {  	_ =	shalt  }
0x55: {  	_ =	shalt  }
0x56: {  	_ =	shalt  }
0x57: {  	_ =	shalt  }
0x58: {  	_ =	shalt  }
0x59: {  	_ =	shalt  }
0x5a: {  	_ =	shalt  }
0x5b: {  	_ =	shalt  }
0x5c: {  	_ =	shalt  }
0x5d: {  	_ =	shalt  }
0x5e: {  	_ =	shalt  }
0x5f: {  	_ =	shalt  }
0x60: {  	_ =	shalt  }
0x61: {  	_ =	shalt  }
0x62: {  	_ =	shalt  }
0x63: {  	_ =	shalt  }
0x64: {  	_ =	shalt  }
0x65: {  	_ =	shalt  }
0x66: {  	_ =	shalt  }
0x67: {  	_ =	shalt  }
0x68: {  	_ =	shalt  }
0x69: {  	_ =	shalt  }
0x6a: {  	_ =	shalt  }
0x6b: {  	_ =	shalt  }
0x6c: {  	_ =	shalt  }
0x6d: {  	_ =	shalt  }
0x6e: {  	_ =	shalt  }
0x6f: {  	_ =	shalt  }
0x70: {  	_ =	shalt  }
0x71: {  	_ =	shalt  }
0x72: {  	_ =	shalt  }
0x73: {  	_ =	shalt  }
0x74: {  	_ =	shalt  }
0x75: {  	_ =	shalt  }
0x76: {  	_ =	shalt  }
0x77: {  	_ =	shalt  }
0x78: {  	_ =	shalt  }
0x79: {  	_ =	shalt  }
0x7a: {  	_ =	shalt  }
0x7b: {  	_ =	shalt  }
0x7c: {  	_ =	shalt  }
0x7d: {  	_ =	shalt  }
0x7e: {  	_ =	shalt  }
0x7f: {  	_ =	shalt  }
0x80: {  	_ =	shalt  }
0x81: {  	_ =	shalt  }
0x82: {  	_ =	shalt  }
0x83: {  	_ =	shalt  }
0x84: {  	_ =	shalt  }
0x85: {  	_ =	shalt  }
0x86: {  	_ =	shalt  }
0x87: {  	_ =	shalt  }
.Lfunc_end0:
.L_simem_size_0:
called_computation.3_lowered:
.L_overlay_start_0:
0x88: {  	s2 =	sld [smem:$0x3FD9]  }
0x89: {  	s3 =	sld [smem:$0x3FFE];
	_ =	sdelay $0x1  }
0x8a: {  	s1 =	srdreg.scid  }
0x8b: {  	s0 =	sand.u32 $0x1, s1  }
0x8c: {  	s17 =	sshll.u32 s0, $0xA;
	s2 =	sadd.s32 s3, s2  }
0x8d: {  	s2 =	sadd.s32 s2, s17  }
0x8e: {  	[smem:$0x3FBD] =	sst s2  }
0x8f: {  	_ = 	snop  }
0x90: {  	s18 =	sld [smem:$0x3FC9];
	(tm) =	ssettm $0x1  }
0x91: {  	s19 =	sld [smem:$0x3FFB];
	_ =	sdelay $0x3  }
0x92: {  	_ =	strace s19  }
0x93: {  	s2 =	sld [smem:$0x3FFC];
	_ =	sdelay $0x3  }
0x94: {  	_ =	strace s2  }
0x95: {  	s2 =	sld [smem:$0x3FFD];
	_ =	sdelay $0x3  }
0x96: {  	_ =	strace s2  }
0x97: {  	_ =	strace $0x8FFFFFFF  }
0x98: {  	s20 =	sld [smem:$0x3FDB];
	_ =	sdelay $0x1  }
0x99: {  	s4 =	simm.s32 $_scs_section_size  }
0x9a: {  	s5 =	simm.s32 $_size__tile_overlayer_lowered;
	s6 =	simm.s32 $_tile_overlayer_lowered  }
0x9b: {  	s7 =	simm.s32 $0x1BFF;
	s21 =	sshll.u32 s6, $0x1;
	s4 =	sadd.s32 s4, s20  }
0x9c: {  	s22 =	simm.s32 $0x0;
	s5 =	sshll.u32 s5, $0x1;
	s6 =	sadd.s32 s21, s4  }
0x9d: {  	[timem:s22], [sflag:s7] =	dma.local [hbm:s6], s5  }
0x9e: {  	_ =	swait.ge [sflag:s7], s5  }
0x9f: {  	s5 =	ssub.s32 $0x0, s5;
	[sflag:s7] =	ssyncset.done $0x0  }
0xa0: {  	[sflag:s7] =	ssyncadd.s32 s5;
	_ =	sdelay $0x1  }
0xa1: {  	s23 =	simm.s32 $0x1B8B  }
0xa2: {  	_ =	swait.ge [sflag:s23], $0x1  }
0xa3: {  	[sflag:s23] =	ssyncset.done $0x0  }
0xa4: {  	[sflag:s23] =	ssyncadd.s32 $0xFFFFFFFF  }
0xa5: {  	s5 =	sld [smem:$0x0]  }
0xa6: {  	s6 =	sand.u32 $0xFFFFFFFE, s1  }
0xa7: {  	p0 =	sne.s32 s1, s6  }
0xa8: {  	s6 =	sshll.u32 @p0 s6, $0xE  }
0xa9: {  	s6 =	sadd.s32 @p0 $0x11B8D, s6;
	s7 =	sshll.u32 @p0 s5, $0x11  }
0xaa: {  	s6 =	sor.u32 @p0 s7, s6  }
0xab: {  	[sflag:s6] =	ssyncadd.remote.s32 @p0 $0x1;
	_ =	sdelay $0x1  }
0xac: {  	s6 =	simm.s32 @p0 $0x1B8D  }
0xad: {  	_ =	swait.eq @p0 [sflag:s6], $0x1  }
0xae: {  	[sflag:s6] =	ssyncadd.s32 @p0 $0xFFFFFFFF  }
0xaf: {  	s7 =	sshll.u32 @!p0 s1, $0xE  }
0xb0: {  	s7 =	sor.u32 @!p0 $0x4000, s7;
	s6 =	simm.s32 @!p0 $0x1B8D  }
0xb1: {  	s5 =	sshll.u32 @!p0 s5, $0x11;
	s7 =	sadd.s32 @!p0 $0x11B8D, s7;
	_ =	swait.eq @!p0 [sflag:s6], $0x1  }
0xb2: {  	s5 =	sor.u32 @!p0 s5, s7;
	[sflag:s6] =	ssyncadd.s32 @!p0 $0xFFFFFFFF  }
0xb3: {  	s25 =	simm.s32 $0x1B8E;
	s24 =	sld [smem:$0x3FFE];
	[sflag:s5] =	ssyncadd.remote.s32 @!p0 $0x1  }
0xb4: {  	s26 =	simm.s32 $execute0_lowered;
	[smem:$0x3FD2] =	sst s25  }
0xb5: {  	s6 =	sshll.u32 s26, $0x1;
	_ =	strace $0x8000004F;
	[dreg:$0x1] =	wrdreg $0xFFFFFFFF  }
0xb6: {  	s28 =	simm.s32 $_size_execute0_lowered;
	s4 =	sadd.s32 s4, s6;
	[dreg:$0x0] =	wrdreg $0x0  }
0xb7: {  	s6 =	sshll.u32 s28, $0x1;
	[dreg:$0x2] =	wrdreg s4  }
0xb8: {  	[dreg:$0x3] =	wrdreg s6  }
0xb9: {  	[dreg:$0x4] =	wrdreg $0xC0  }
0xba: {  	_ =	task [dreg:s22], $0x5FFFF  }
0xbb: {  	[dreg:$0x1] =	wrdreg $0xFFFFFFFF  }
0xbc: {  	[dreg:$0x0] =	wrdreg $0x60  }
0xbd: {  	[dreg:$0x2] =	wrdreg s18  }
0xbe: {  	[dreg:$0x3] =	wrdreg s24  }
0xbf: {  	[dreg:$0x4] =	wrdreg $0xB  }
0xc0: {  	_ =	task.clear_ibuf [dreg:s22], $0x5FFFF;
	_ =	strace $0x9000004F  }
0xc1: {  	s29 =	simm.s32 $0xB;
	_ =	strace $0x80000051  }
0xc2: {  	_ =	swait.ge [sflag:s29], $0x1  }
0xc3: {  	[sflag:s29] =	ssyncadd.s32 $0xFFFFFFFF  }
0xc4: {  	_ =	strace $0x90000051  }
0xc5: {  	_ =	sfence  }
0xc6: {  	s30 =	sld [smem:$0x0];
	_ =	sdelay $0x2  }
0xc7: {  	s31 =	sshll.u32 s1, $0xD;
	s1 =	sshrl.u32 s1, $0x2  }
0xc8: {  	s4 =	sand.u32 $0x4000, s31;
	s1 =	sadd.s32 s1, s30  }
0xc9: {  	s0 =	sor.u32 s4, s0;
	s1 =	sshll.u32 s1, $0x11  }
0xca: {  	s0 =	sor.u32 s1, s0  }
0xcb: {  	s0 =	sadd.s32 $0x8F2B, s0  }
0xcc: {  	[sflag:s0] =	ssyncadd.remote.s32 $0x1  }
0xcd: {  	_ =	sfence.sel $0xFFFF  }
0xce: {  	[dreg:$0x0] =	wrdreg $0xFFFFFFFF;
	(pc) =	sbr.abs _section_cstart, $3  }
0xcf: {  	[dreg:$0x1] =	wrdreg $0xFFFFFFFF  }
0xd0: {  	_ =	task.clear_ibuf [dreg:s22], $0x2FFFF;
	_ =	strace $0x9FFFFFFF  }
0xd1: {  	(tm) =	ssettm $0x7FFFFFFF  }
tec
execute0_lowered:
.L_overlay_start_1:
0x0: {  	(tag) =	ssettag $0x1  }
0x1: {  	s1 =	srdreg.scid;
	s0 =	stileid.u32  }
0x2: {  	s17 =	sand.u32 $0x1, s1;
	s26 =	sshll.u32 s0, $0x1  }
0x3: {  	s2 =	rddreg [dreg:$0x0];
	s9 =	sor.u32 s17, s26  }
0x4: {  	s10 =	rddreg [dreg:$0x1];
	s18 =	smul.u32 $0x1388, s9  }
0x5: {  	s3 =	simm.s32 $0x0;
	s1 =	rddreg [dreg:$0x2]  }
0x6: {  	[smem:$0x7FF] =	sst s3;
	s16 =	sadd.s32 $0x10600, s10;
	s4 =	sshrl.u32 s18, $0x3  }
0x7: {  	_ =	strace $0x80000050;
	s5 =	sadd.s32 s16, s4;
	s4 =	simm.s32 $0x2  }
0x8: {  	[tilespmem:s3], [sflag:$0x2] =	stream.linear.gather [hbm4b:s5+s3], $0x3E8, $0x38;
	[tilespmem:$0x1F800] =	vst v63  }
0x9: {  	_ =	swait.ge [sflag:s4], $0x3E8  }
0xa: {  	s6 =	simm.s32 $0x3E8;
	[sflag:s4] =	ssyncset.done $0x0  }
0xb: {  	s7 =	simm.s32 $0x400;
	s8 =	simm.s32 $0x1;
	[sflag:s4] =	ssyncadd.s32 $0xFFFFFC18  }
0xc: {  	[tilespmem:s7], [sflag:$0x1] =	stream.indirect.gather [hbm4b:s2+s6], $0x80, s3, s6, $0xb8;
	[tilespmem:$0x1F800] =	vst v63  }
0xd: {  	s9 =	smul.u32 $0x13880, s9;
	_ =	swait.ge [sflag:s8], $0x1F400  }
0xe: {  	s19 =	sadd.s32 $0x1F600, s10;
	[sflag:s8] =	ssyncset.done $0x0  }
0xf: {  	s9 =	sadd.s32 s19, s9;
	[sflag:s8] =	ssyncadd.s32 $0xFFFE0C00  }
0x10: {  	[hbm4b:s9+s3] =	stream.linear.scatter [tilespmem:s7], [sflag:$0x2], $0x1F400, $0x38;
	[tilespmem:$0x1F800] =	vst v63  }
0x11: {  	s11 =	sadd.s32 $0x3E8, s18;
	_ =	swait.ge [sflag:s4], $0x1F400  }
0x12: {  	s28 =	sshrl.u32 s11, $0x3;
	[sflag:s4] =	ssyncset.done $0x0  }
0x13: {  	s10 =	sadd.s32 s16, s28;
	[sflag:s4] =	ssyncadd.s32 $0xFFFE0C00  }
0x14: {  	[tilespmem:s3], [sflag:$0x2] =	stream.linear.gather [hbm4b:s10+s3], $0x3E8, $0x38;
	[tilespmem:$0x1F800] =	vst v63  }
0x15: {  	_ =	swait.ge [sflag:s4], $0x3E8  }
0x16: {  	[sflag:s4] =	ssyncset.done $0x0  }
0x17: {  	[sflag:s4] =	ssyncadd.s32 $0xFFFFFC18  }
0x18: {  	[tilespmem:s7], [sflag:$0x1] =	stream.indirect.gather [hbm4b:s2+s6], $0x80, s3, s6, $0xb8;
	[tilespmem:$0x1F800] =	vst v63  }
0x19: {  	_ =	swait.ge [sflag:s8], $0x1F400  }
0x1a: {  	s11 =	sshll.u32 s11, $0x4;
	[sflag:s8] =	ssyncset.done $0x0  }
0x1b: {  	s11 =	sadd.s32 s19, s11;
	[sflag:s8] =	ssyncadd.s32 $0xFFFE0C00  }
0x1c: {  	[hbm4b:s11+s3] =	stream.linear.scatter [tilespmem:s7], [sflag:$0x2], $0x1F400, $0x38;
	[tilespmem:$0x1F800] =	vst v63  }
0x1d: {  	s13 =	sadd.s32 $0x7D0, s18;
	_ =	swait.ge [sflag:s4], $0x1F400  }
0x1e: {  	s12 =	sshrl.u32 s13, $0x3;
	[sflag:s4] =	ssyncset.done $0x0  }
0x1f: {  	s12 =	sadd.s32 s16, s12;
	[sflag:s4] =	ssyncadd.s32 $0xFFFE0C00  }
0x20: {  	[tilespmem:s3], [sflag:$0x2] =	stream.linear.gather [hbm4b:s12+s3], $0x3E8, $0x38;
	[tilespmem:$0x1F800] =	vst v63  }
0x21: {  	_ =	swait.ge [sflag:s4], $0x3E8  }
0x22: {  	[sflag:s4] =	ssyncset.done $0x0  }
0x23: {  	[sflag:s4] =	ssyncadd.s32 $0xFFFFFC18  }
0x24: {  	[tilespmem:s7], [sflag:$0x1] =	stream.indirect.gather [hbm4b:s2+s6], $0x80, s3, s6, $0xb8;
	[tilespmem:$0x1F800] =	vst v63  }
0x25: {  	_ =	swait.ge [sflag:s8], $0x1F400  }
0x26: {  	s13 =	sshll.u32 s13, $0x4;
	[sflag:s8] =	ssyncset.done $0x0  }
0x27: {  	s13 =	sadd.s32 s19, s13;
	[sflag:s8] =	ssyncadd.s32 $0xFFFE0C00  }
0x28: {  	[hbm4b:s13+s3] =	stream.linear.scatter [tilespmem:s7], [sflag:$0x2], $0x1F400, $0x38;
	[tilespmem:$0x1F800] =	vst v63  }
0x29: {  	s15 =	sadd.s32 $0xBB8, s18;
	_ =	swait.ge [sflag:s4], $0x1F400  }
0x2a: {  	s14 =	sshrl.u32 s15, $0x3;
	[sflag:s4] =	ssyncset.done $0x0  }
0x2b: {  	s14 =	sadd.s32 s16, s14;
	[sflag:s4] =	ssyncadd.s32 $0xFFFE0C00  }
0x2c: {  	[tilespmem:s3], [sflag:$0x2] =	stream.linear.gather [hbm4b:s14+s3], $0x3E8, $0x38;
	[tilespmem:$0x1F800] =	vst v63  }
0x2d: {  	_ =	swait.ge [sflag:s4], $0x3E8  }
0x2e: {  	[sflag:s4] =	ssyncset.done $0x0  }
0x2f: {  	[sflag:s4] =	ssyncadd.s32 $0xFFFFFC18  }
0x30: {  	[tilespmem:s7], [sflag:$0x1] =	stream.indirect.gather [hbm4b:s2+s6], $0x80, s3, s6, $0xb8;
	[tilespmem:$0x1F800] =	vst v63  }
0x31: {  	_ =	swait.ge [sflag:s8], $0x1F400  }
0x32: {  	s15 =	sshll.u32 s15, $0x4;
	[sflag:s8] =	ssyncset.done $0x0  }
0x33: {  	s15 =	sadd.s32 s19, s15;
	[sflag:s8] =	ssyncadd.s32 $0xFFFE0C00  }
0x34: {  	[hbm4b:s15+s3] =	stream.linear.scatter [tilespmem:s7], [sflag:$0x2], $0x1F400, $0x38;
	[tilespmem:$0x1F800] =	vst v63  }
0x35: {  	s18 =	sadd.s32 $0xFA0, s18;
	_ =	swait.ge [sflag:s4], $0x1F400  }
0x36: {  	s20 =	sshrl.u32 s18, $0x3;
	[sflag:s4] =	ssyncset.done $0x0  }
0x37: {  	s17 =	ssub.s32 $0x2, s17;
	s16 =	sadd.s32 s16, s20;
	[sflag:s4] =	ssyncadd.s32 $0xFFFE0C00  }
0x38: {  	[tilespmem:s3], [sflag:$0x2] =	stream.linear.gather [hbm4b:s16+s3], $0x3E8, $0x38;
	[tilespmem:$0x1F800] =	vst v63  }
0x39: {  	s29 =	sshrl.u32 s17, $0x1;
	_ =	swait.ge [sflag:s4], $0x3E8  }
0x3a: {  	s20 =	ssub.s32 s17, s29;
	[sflag:s4] =	ssyncset.done $0x0  }
0x3b: {  	s31 =	smax.u32 s20, $0x1;
	[sflag:s4] =	ssyncadd.s32 $0xFFFFFC18  }
0x3c: {  	[tilespmem:s7], [sflag:$0x1] =	stream.indirect.gather [hbm4b:s2+s6], $0x80, s3, s6, $0xb8;
	[tilespmem:$0x1F800] =	vst v63  }
0x3d: {  	p0 =	sne.s32 s31, $0x1;
	_ =	swait.ge [sflag:s8], $0x1F400  }
.Ltmp0:
0x3e: {  	s30 =	sshll.u32 s18, $0x4;
	[sflag:s8] =	ssyncset.done $0x0;
	(pc) =	sbr.rel @!p0 .LBB2_2-.Ltmp0, $4  }
0x3f: {  	s17 =	sadd.s32 s19, s30;
	[sflag:s8] =	ssyncadd.s32 $0xFFFE0C00  }
0x40: {  	[hbm4b:s17+s3] =	stream.linear.scatter [tilespmem:s7], [sflag:$0x2], $0x1F400, $0x38;
	[tilespmem:$0x1F800] =	vst v63  }
0x41: {  	_ =	swait.ge [sflag:s4], $0x1F400  }
0x42: {  	s18 =	sadd.s32 $0xFFFFFFFF, s31;
	[sflag:s4] =	ssyncset.done $0x0  }
.LBB2_1:
0x43: {  	p0 =	sne.s32 s18, $0x1;
	s18 =	sadd.s32 $0xFFFFFFFF, s18;
	[sflag:s4] =	ssyncadd.s32 $0xFFFE0C00  }
0x44: {  	[tilespmem:s3], [sflag:$0x2] =	stream.linear.gather [hbm4b:s5+s3], $0x3E8, $0x38;
	[tilespmem:$0x1F800] =	vst v63  }
0x45: {  	_ =	swait.ge [sflag:s4], $0x3E8  }
0x46: {  	[sflag:s4] =	ssyncset.done $0x0  }
0x47: {  	[sflag:s4] =	ssyncadd.s32 $0xFFFFFC18  }
0x48: {  	[tilespmem:s7], [sflag:$0x1] =	stream.indirect.gather [hbm4b:s2+s6], $0x80, s3, s6, $0xb8;
	[tilespmem:$0x1F800] =	vst v63  }
0x49: {  	_ =	swait.ge [sflag:s8], $0x1F400  }
0x4a: {  	[sflag:s8] =	ssyncset.done $0x0  }
0x4b: {  	[sflag:s8] =	ssyncadd.s32 $0xFFFE0C00  }
0x4c: {  	[hbm4b:s9+s3] =	stream.linear.scatter [tilespmem:s7], [sflag:$0x2], $0x1F400, $0x38;
	[tilespmem:$0x1F800] =	vst v63  }
0x4d: {  	_ =	swait.ge [sflag:s4], $0x1F400  }
0x4e: {  	[sflag:s4] =	ssyncset.done $0x0  }
0x4f: {  	[sflag:s4] =	ssyncadd.s32 $0xFFFE0C00  }
0x50: {  	[tilespmem:s3], [sflag:$0x2] =	stream.linear.gather [hbm4b:s10+s3], $0x3E8, $0x38;
	[tilespmem:$0x1F800] =	vst v63  }
0x51: {  	_ =	swait.ge [sflag:s4], $0x3E8  }
0x52: {  	[sflag:s4] =	ssyncset.done $0x0  }
0x53: {  	[sflag:s4] =	ssyncadd.s32 $0xFFFFFC18  }
0x54: {  	[tilespmem:s7], [sflag:$0x1] =	stream.indirect.gather [hbm4b:s2+s6], $0x80, s3, s6, $0xb8;
	[tilespmem:$0x1F800] =	vst v63  }
0x55: {  	_ =	swait.ge [sflag:s8], $0x1F400  }
0x56: {  	[sflag:s8] =	ssyncset.done $0x0  }
0x57: {  	[sflag:s8] =	ssyncadd.s32 $0xFFFE0C00  }
0x58: {  	[hbm4b:s11+s3] =	stream.linear.scatter [tilespmem:s7], [sflag:$0x2], $0x1F400, $0x38;
	[tilespmem:$0x1F800] =	vst v63  }
0x59: {  	_ =	swait.ge [sflag:s4], $0x1F400  }
0x5a: {  	[sflag:s4] =	ssyncset.done $0x0  }
0x5b: {  	[sflag:s4] =	ssyncadd.s32 $0xFFFE0C00  }
0x5c: {  	[tilespmem:s3], [sflag:$0x2] =	stream.linear.gather [hbm4b:s12+s3], $0x3E8, $0x38;
	[tilespmem:$0x1F800] =	vst v63  }
0x5d: {  	_ =	swait.ge [sflag:s4], $0x3E8  }
0x5e: {  	[sflag:s4] =	ssyncset.done $0x0  }
0x5f: {  	[sflag:s4] =	ssyncadd.s32 $0xFFFFFC18  }
0x60: {  	[tilespmem:s7], [sflag:$0x1] =	stream.indirect.gather [hbm4b:s2+s6], $0x80, s3, s6, $0xb8;
	[tilespmem:$0x1F800] =	vst v63  }
0x61: {  	_ =	swait.ge [sflag:s8], $0x1F400  }
0x62: {  	[sflag:s8] =	ssyncset.done $0x0  }
0x63: {  	[sflag:s8] =	ssyncadd.s32 $0xFFFE0C00  }
0x64: {  	[hbm4b:s13+s3] =	stream.linear.scatter [tilespmem:s7], [sflag:$0x2], $0x1F400, $0x38;
	[tilespmem:$0x1F800] =	vst v63  }
0x65: {  	_ =	swait.ge [sflag:s4], $0x1F400  }
0x66: {  	[sflag:s4] =	ssyncset.done $0x0  }
0x67: {  	[sflag:s4] =	ssyncadd.s32 $0xFFFE0C00  }
0x68: {  	[tilespmem:s3], [sflag:$0x2] =	stream.linear.gather [hbm4b:s14+s3], $0x3E8, $0x38;
	[tilespmem:$0x1F800] =	vst v63  }
0x69: {  	_ =	swait.ge [sflag:s4], $0x3E8  }
0x6a: {  	[sflag:s4] =	ssyncset.done $0x0  }
0x6b: {  	[sflag:s4] =	ssyncadd.s32 $0xFFFFFC18  }
0x6c: {  	[tilespmem:s7], [sflag:$0x1] =	stream.indirect.gather [hbm4b:s2+s6], $0x80, s3, s6, $0xb8;
	[tilespmem:$0x1F800] =	vst v63  }
0x6d: {  	_ =	swait.ge [sflag:s8], $0x1F400  }
0x6e: {  	[sflag:s8] =	ssyncset.done $0x0  }
0x6f: {  	[sflag:s8] =	ssyncadd.s32 $0xFFFE0C00  }
0x70: {  	[hbm4b:s15+s3] =	stream.linear.scatter [tilespmem:s7], [sflag:$0x2], $0x1F400, $0x38;
	[tilespmem:$0x1F800] =	vst v63  }
0x71: {  	_ =	swait.ge [sflag:s4], $0x1F400  }
0x72: {  	[sflag:s4] =	ssyncset.done $0x0  }
0x73: {  	[sflag:s4] =	ssyncadd.s32 $0xFFFE0C00  }
0x74: {  	[tilespmem:s3], [sflag:$0x2] =	stream.linear.gather [hbm4b:s16+s3], $0x3E8, $0x38;
	[tilespmem:$0x1F800] =	vst v63  }
0x75: {  	_ =	swait.ge [sflag:s4], $0x3E8  }
0x76: {  	[sflag:s4] =	ssyncset.done $0x0  }
0x77: {  	[sflag:s4] =	ssyncadd.s32 $0xFFFFFC18  }
0x78: {  	[tilespmem:s7], [sflag:$0x1] =	stream.indirect.gather [hbm4b:s2+s6], $0x80, s3, s6, $0xb8;
	[tilespmem:$0x1F800] =	vst v63  }
0x79: {  	_ =	swait.ge [sflag:s8], $0x1F400  }
.Ltmp1:
0x7a: {  	[sflag:s8] =	ssyncset.done $0x0;
	(pc) =	sbr.rel @p0 .LBB2_1-.Ltmp1, $4  }
0x7b: {  	[sflag:s8] =	ssyncadd.s32 $0xFFFE0C00  }
0x7c: {  	[hbm4b:s17+s3] =	stream.linear.scatter [tilespmem:s7], [sflag:$0x2], $0x1F400, $0x38;
	[tilespmem:$0x1F800] =	vst v63  }
0x7d: {  	_ =	swait.ge [sflag:s4], $0x1F400  }
0x7e: {  	[sflag:s4] =	ssyncset.done $0x0  }
.LBB2_2:
0x7f: {  	[sflag:s4] =	ssyncadd.s32 $0xFFFE0C00  }
0x80: {  	_ =	sfence.sel $0x180000  }
0x81: {  	[bflag:$0x0] =	sbarrier.arrive $0xFFFF  }
0x82: {  	p0 =	sne.s32 s0, $0x0;
	_ =	strace $0x90000050  }
0x83: {  	s0 =	sadd.s32 @!p0 $0x100000, s1;
	[bflag:$0x2] =	sbarrier.arrive $0xFFFF  }
0x84: {  	[sflag:s0] =	ssyncadd.tile.s32 @!p0 $0x1;
	_ =	shalt  }
.Lfunc_end2:
_tile_overlayer_lowered:
.L_overlay_start_2:
0x85: {  	(tag) =	ssettag $0x2  }
0x86: {  	s0 =	rddreg [dreg:$0x0];
	s2 =	stileid.u32  }
0x87: {  	s1 =	rddreg [dreg:$0x1];
	p0 =	sne.s32 s2, $0x0  }
0x88: {  	s3 =	rddreg [dreg:$0x2];
	[bflag:$0x3] =	sbarrier.arrive $0xFFFF;
	s2 =	simm.s32 @!p0 $0x1C02  }
0x89: {  	[timem:s3], [sflag:s2] =	dma.local @!p0 [hbm:s0], s1  }
0x8a: {  	s0 =	simm.s32 @!p0 $0x2  }
0x8b: {  	_ =	swait.ge @!p0 [sflag:s0], s1  }
0x8c: {  	s1 =	ssub.s32 @!p0 $0x0, s1;
	[sflag:s0] =	ssyncset.done @!p0 $0x0  }
0x8d: {  	[sflag:s0] =	ssyncadd.s32 @!p0 s1  }
0x8e: {  	[bflag:$0x3] =	sbarrier.arrive $0xFFFF  }
0x8f: {  	_ =	shalt  }

// kernel: kernel.9.cloned.1.call-start
scs
__scs_entry_jumppad:
0x0: {  	(pc) =	sbr.rel $0x88, $3  }
0x1: {  	(tag) =	ssettag $0x0;
	lr =	simm.s32 $0x1  }
0x2: {  	[smem:$0x3F96] =	sst lr;
	_ =	strace $0xD0000000  }
0x3: {  	_ = 	snop  }
0x4: {  	_ = 	snop  }
0x5: {  	_ = 	snop  }
0x6: {  	_ = 	snop  }
0x7: {  	_ = 	snop  }
__scs_overlays_trampoline_lowered:
0x8: {  	[smem:$0x3FA5] =	sst s0  }
0x9: {  	[smem:$0x3FA6] =	sst s1  }
0xa: {  	[smem:$0x3FA7] =	sst s2  }
0xb: {  	[smem:$0x3FA8] =	sst s3  }
0xc: {  	[smem:$0x3FA9] =	sst s4  }
0xd: {  	[smem:$0x3FAA] =	sst s5  }
0xe: {  	[smem:$0x3FAB] =	sst s6  }
0xf: {  	[smem:$0x3FAC] =	sst s7  }
0x10: {  	[smem:$0x3FAD] =	sst s8  }
0x11: {  	[smem:$0x3FAE] =	sst s9;
	s0 =	simm.s32 @!p0 $0x0  }
0x12: {  	s1 =	sld [smem:$0x3F94];
	s0 =	simm.s32 @p0 $0x1  }
0x13: {  	[smem:$0x3FAF] =	sst s0;
	s0 =	simm.s32 @!p1 $0x0  }
0x14: {  	s2 =	sld [smem:$0x3F93];
	s0 =	simm.s32 @p1 $0x1  }
0x15: {  	[smem:$0x3FB0] =	sst s0;
	s0 =	simm.s32 @!p2 $0x0  }
0x16: {  	s3 =	sld [smem:$0x3FDB];
	s0 =	simm.s32 @p2 $0x1  }
0x17: {  	s4 =	simm.s32 $0x1BF5;
	[smem:$0x3FB2] =	sst s0  }
0x18: {  	s0 =	sld [smem:$0x3F95];
	_ =	swait.ge [sflag:s4], $0x0  }
0x19: {  	s7 =	sld [smem:$0x3F96]  }
0x1a: {  	s8 =	sadd.s32 $0xFFFFE003, lr  }
0x1b: {  	s9 =	sadd.s32 $0xFFFFFEF7, lr;
	s5 =	simm.s32 $0xFFFFFFFF;
	p2 =	slt.u32 s8, $0xFFFFF086  }
0x1c: {  	p1 =	slt.u32 s9, $0xF7A;
	s5 =	simm.s32 @!p2 $0x0  }
0x1d: {  	s5 =	simm.s32 @p1 $0x1;
	p0 =	seq.s32 s7, s2  }
0x1e: {  	s7 =	smul.u32 @!p0 $0xF7A, s2;
	p2 =	seq.s32 @!p0 s5, $0x0  }
0x1f: {  	s9 =	smul.u32 $0xF7A, s1;
	s8 =	simm.s32 @!p0 $0x1BF5;
	p2 =	por !p2, p0  }
0x20: {  	[sflag:s8] =	ssyncset.s32 @!p0 $0xFFFFF086;
	s6 =	sadd.s32 @!p0 s3, s7;
	s7 =	simm.s32 @!p0 $0x108  }
0x21: {  	s3 =	sadd.s32 s3, s9;
	s6 =	sadd.s32 @!p0 $0x88, s6;
	s7 =	simm.s32 @p2 $0x1082  }
0x22: {  	[simem:s7], [sflag:s8] =	dma.local @!p0 [hbm:s6], $0xF7A  }
0x23: {  	s9 =	sor.u32 $0xD0000000, s2;
	s6 =	simm.s32 $0x108;
	_ =	swait.ge @!p0 [sflag:s8], $0x0  }
0x24: {  	s3 =	sadd.s32 $0x88, s3;
	s6 =	simm.s32 @!p1 $0x1082;
	[sflag:s4] =	ssyncset.s32 $0xFFFFF086  }
0x25: {  	[simem:s6], [sflag:s4] =	dma.local [hbm:s3], $0xF7A  }
0x26: {  	[smem:$0x3F96] =	sst s1;
	(tag) =	ssettag s2;
	_ =	strace s9  }
0x27: {  	s1 =	sld [smem:$0x3FA6]  }
0x28: {  	s2 =	sld [smem:$0x3FA7]  }
0x29: {  	s4 =	sld [smem:$0x3FA9]  }
0x2a: {  	p0 =	seq.s32 s5, $0x0;
	s5 =	sld [smem:$0x3FAA]  }
0x2b: {  	s6 =	sld [smem:$0x3FAB]  }
0x2c: {  	s7 =	sld [smem:$0x3FAC]  }
0x2d: {  	s3 =	simm.s32 $0x108;
	s8 =	sld [smem:$0x3FAD]  }
0x2e: {  	s3 =	simm.s32 @!p0 $0x1082;
	s9 =	sld [smem:$0x3FAE]  }
0x2f: {  	lr =	sadd.s32 s0, s3;
	s0 =	sld [smem:$0x3FA5]  }
0x30: {  	s3 =	sld [smem:$0x3FA8]  }
0x31: {  	[smem:$0x3FB1] =	sst s10  }
0x32: {  	s10 =	sld [smem:$0x3FAF];
	_ =	sdelay $0x3  }
0x33: {  	p0 =	seq.s32 s10, $0x1;
	s10 =	sld [smem:$0x3FB1];
	_ =	sdelay $0x3  }
0x34: {  	[smem:$0x3FB1] =	sst s10  }
0x35: {  	s10 =	sld [smem:$0x3FB0];
	_ =	sdelay $0x3  }
0x36: {  	p1 =	seq.s32 s10, $0x1;
	s10 =	sld [smem:$0x3FB1];
	_ =	sdelay $0x3  }
0x37: {  	[smem:$0x3FB1] =	sst s10  }
0x38: {  	s10 =	sld [smem:$0x3FB2]  }
0x39: {  	_ = 	snop;
	(pc) =	sbr.ind lr, $3  }
0x3a: {  	_ = 	snop  }
0x3b: {  	_ = 	snop  }
0x3c: {  	p2 =	seq.s32 s10, $0x1;
	s10 =	sld [smem:$0x3FB1]  }
0x3d: {  	_ =	shalt  }
0x3e: {  	_ =	shalt  }
0x3f: {  	_ =	shalt  }
0x40: {  	_ =	shalt  }
0x41: {  	_ =	shalt  }
0x42: {  	_ =	shalt  }
0x43: {  	_ =	shalt  }
0x44: {  	_ =	shalt  }
0x45: {  	_ =	shalt  }
0x46: {  	_ =	shalt  }
0x47: {  	_ =	shalt  }
0x48: {  	_ =	shalt  }
0x49: {  	_ =	shalt  }
0x4a: {  	_ =	shalt  }
0x4b: {  	_ =	shalt  }
0x4c: {  	_ =	shalt  }
0x4d: {  	_ =	shalt  }
0x4e: {  	_ =	shalt  }
0x4f: {  	_ =	shalt  }
0x50: {  	_ =	shalt  }
0x51: {  	_ =	shalt  }
0x52: {  	_ =	shalt  }
0x53: {  	_ =	shalt  }
0x54: {  	_ =	shalt  }
0x55: {  	_ =	shalt  }
0x56: {  	_ =	shalt  }
0x57: {  	_ =	shalt  }
0x58: {  	_ =	shalt  }
0x59: {  	_ =	shalt  }
0x5a: {  	_ =	shalt  }
0x5b: {  	_ =	shalt  }
0x5c: {  	_ =	shalt  }
0x5d: {  	_ =	shalt  }
0x5e: {  	_ =	shalt  }
0x5f: {  	_ =	shalt  }
0x60: {  	_ =	shalt  }
0x61: {  	_ =	shalt  }
0x62: {  	_ =	shalt  }
0x63: {  	_ =	shalt  }
0x64: {  	_ =	shalt  }
0x65: {  	_ =	shalt  }
0x66: {  	_ =	shalt  }
0x67: {  	_ =	shalt  }
0x68: {  	_ =	shalt  }
0x69: {  	_ =	shalt  }
0x6a: {  	_ =	shalt  }
0x6b: {  	_ =	shalt  }
0x6c: {  	_ =	shalt  }
0x6d: {  	_ =	shalt  }
0x6e: {  	_ =	shalt  }
0x6f: {  	_ =	shalt  }
0x70: {  	_ =	shalt  }
0x71: {  	_ =	shalt  }
0x72: {  	_ =	shalt  }
0x73: {  	_ =	shalt  }
0x74: {  	_ =	shalt  }
0x75: {  	_ =	shalt  }
0x76: {  	_ =	shalt  }
0x77: {  	_ =	shalt  }
0x78: {  	_ =	shalt  }
0x79: {  	_ =	shalt  }
0x7a: {  	_ =	shalt  }
0x7b: {  	_ =	shalt  }
0x7c: {  	_ =	shalt  }
0x7d: {  	_ =	shalt  }
0x7e: {  	_ =	shalt  }
0x7f: {  	_ =	shalt  }
0x80: {  	_ =	shalt  }
0x81: {  	_ =	shalt  }
0x82: {  	_ =	shalt  }
0x83: {  	_ =	shalt  }
0x84: {  	_ =	shalt  }
0x85: {  	_ =	shalt  }
0x86: {  	_ =	shalt  }
0x87: {  	_ =	shalt  }
.Lfunc_end0:
.L_simem_size_0:
called_computation.4_lowered:
.L_overlay_start_0:
0x88: {  	s2 =	sld [smem:$0x3FD9]  }
0x89: {  	s3 =	sld [smem:$0x3FFE];
	_ =	sdelay $0x1  }
0x8a: {  	s1 =	srdreg.scid  }
0x8b: {  	s0 =	sand.u32 $0x1, s1  }
0x8c: {  	s16 =	sshll.u32 s0, $0xA;
	s2 =	sadd.s32 s3, s2  }
0x8d: {  	s2 =	sadd.s32 s2, s16  }
0x8e: {  	[smem:$0x3FBD] =	sst s2  }
0x8f: {  	_ = 	snop  }
0x90: {  	(tm) =	ssettm $0x1  }
0x91: {  	s17 =	sld [smem:$0x3FFB];
	_ =	sdelay $0x3  }
0x92: {  	_ =	strace s17  }
0x93: {  	s2 =	sld [smem:$0x3FFC];
	_ =	sdelay $0x3  }
0x94: {  	_ =	strace s2  }
0x95: {  	s2 =	sld [smem:$0x3FFD];
	_ =	sdelay $0x3  }
0x96: {  	_ =	strace s2  }
0x97: {  	_ =	strace $0x8FFFFFFF  }
0x98: {  	s18 =	sld [smem:$0x3FDB];
	_ =	sdelay $0x1  }
0x99: {  	s19 =	simm.s32 $_scs_section_size  }
0x9a: {  	s4 =	simm.s32 $_size__tile_overlayer_lowered;
	s5 =	simm.s32 $_tile_overlayer_lowered  }
0x9b: {  	s22 =	simm.s32 $0x1BFF;
	s21 =	sshll.u32 s5, $0x1;
	s2 =	sadd.s32 s19, s18  }
0x9c: {  	s6 =	simm.s32 $0x0;
	s20 =	sshll.u32 s4, $0x1;
	s4 =	sadd.s32 s21, s2  }
0x9d: {  	[timem:s6], [sflag:s22] =	dma.local [hbm:s4], s20  }
0x9e: {  	_ =	swait.ge [sflag:s22], s20  }
0x9f: {  	s3 =	ssub.s32 $0x0, s20;
	[sflag:s22] =	ssyncset.done $0x0  }
0xa0: {  	[sflag:s22] =	ssyncadd.s32 s3;
	_ =	sdelay $0x1  }
0xa1: {  	s23 =	simm.s32 $0x1B8B  }
0xa2: {  	_ =	swait.ge [sflag:s23], $0x1  }
0xa3: {  	[sflag:s23] =	ssyncset.done $0x0  }
0xa4: {  	s25 =	simm.s32 $0x1B8E;
	s24 =	sld [smem:$0x3FFE];
	[sflag:s23] =	ssyncadd.s32 $0xFFFFFFFF  }
0xa5: {  	s26 =	simm.s32 $execute0_lowered;
	[smem:$0x3FD2] =	sst s25  }
0xa6: {  	s4 =	sshll.u32 s26, $0x1;
	_ =	strace $0x80000052;
	[dreg:$0x1] =	wrdreg $0xFFFFFFFF  }
0xa7: {  	s28 =	simm.s32 $_size_execute0_lowered;
	s2 =	sadd.s32 s2, s4;
	[dreg:$0x0] =	wrdreg $0x0  }
0xa8: {  	s4 =	sshll.u32 s28, $0x1;
	[dreg:$0x2] =	wrdreg s2  }
0xa9: {  	[dreg:$0x3] =	wrdreg s4  }
0xaa: {  	[dreg:$0x4] =	wrdreg $0xC0  }
0xab: {  	_ =	task [dreg:s6], $0x5FFFF  }
0xac: {  	[dreg:$0x1] =	wrdreg $0xFFFFFFFF  }
0xad: {  	[dreg:$0x0] =	wrdreg $0x60  }
0xae: {  	[dreg:$0x2] =	wrdreg s24  }
0xaf: {  	[dreg:$0x3] =	wrdreg $0x9  }
0xb0: {  	_ =	task.clear_ibuf [dreg:s6], $0x4FFFF;
	_ =	strace $0x90000052  }
0xb1: {  	s29 =	simm.s32 $0x9;
	_ =	strace $0x80000054  }
0xb2: {  	_ =	swait.ge [sflag:s29], $0x1  }
0xb3: {  	[sflag:s29] =	ssyncadd.s32 $0xFFFFFFFF  }
0xb4: {  	_ =	strace $0x90000054  }
0xb5: {  	_ =	sfence  }
0xb6: {  	s30 =	sld [smem:$0x0];
	_ =	sdelay $0x2  }
0xb7: {  	s31 =	sshll.u32 s1, $0xD;
	s1 =	sshrl.u32 s1, $0x2  }
0xb8: {  	s3 =	sand.u32 $0x4000, s31;
	s1 =	sadd.s32 s1, s30  }
0xb9: {  	s0 =	sor.u32 s3, s0;
	s1 =	sshll.u32 s1, $0x11  }
0xba: {  	s0 =	sor.u32 s1, s0  }
0xbb: {  	s0 =	sadd.s32 $0x8F2B, s0  }
0xbc: {  	[sflag:s0] =	ssyncadd.remote.s32 $0x1  }
0xbd: {  	_ =	sfence.sel $0xFFFF  }
0xbe: {  	[dreg:$0x0] =	wrdreg $0xFFFFFFFF;
	(pc) =	sbr.abs _section_cstart, $3  }
0xbf: {  	[dreg:$0x1] =	wrdreg $0xFFFFFFFF  }
0xc0: {  	_ =	task.clear_ibuf [dreg:s6], $0x2FFFF;
	_ =	strace $0x9FFFFFFF  }
0xc1: {  	(tm) =	ssettm $0x7FFFFFFF  }
tec
execute0_lowered:
.L_overlay_start_1:
0x0: {  	(tag) =	ssettag $0x1  }
0x1: {  	s7 =	rddreg [dreg:$0x0]  }
0x2: {  	s0 =	rddreg [dreg:$0x1];
	s3 =	srdreg.scid  }
0x3: {  	s1 =	stileid.u32;
	s2 =	simm.s32 $0x0;
	s10 =	simm.s32 $0x10280  }
0x4: {  	s12 =	simm.s32 $0x280;
	s13 =	simm.s32 $0x0;
	s6 =	sand.u32 $0x1, s3  }
0x5: {  	s30 =	sshll.u32 s1, $0x1;
	[smem:$0x7FF] =	sst s2;
	s4 =	sadd.s32 $0x501600, s7  }
.Ltmp0:
0x6: {  	s5 =	sadd.s32 $0x1800, s7;
	s3 =	sor.u32 s6, s30;
	(pc) =	sbr.rel .LBB2_1-.Ltmp0, $4  }
0x7: {  	_ =	strace $0x80000053;
	s9 =	ssub.s32 $0x2, s6;
	s8 =	smul.u32 $0x1400, s3  }
0x8: {  	s6 =	sadd.s32 $0x1600, s7;
	s31 =	sshrl.u32 s9, $0x1;
	s11 =	smul.u32 $0xFFFFFEC0, s3  }
0x9: {  	s7 =	sadd.s32 s8, s7;
	s8 =	ssub.s32 s9, s31;
	s9 =	simm.s32 $0x1  }
0xa: {  	v1 =	vimm.f32 $-Inf;
	v2 =	vlaneseq.u32;
	v0 =	vmov s11;
	s11 =	simm.s32 $0x80;
	s7 =	sadd.s32 $0x6800, s7;
	s8 =	smax.u32 s8, $0x1  }
.LBB2_10:
0xb: {  	s13 =	sadd.s32 $0x1, s13  }
0xc: {  	p0 =	sne.s32 s13, s8  }
.Ltmp1:
0xd: {  	_ = 	snop;
	(pc) =	sbr.rel @!p0 .LBB2_11-.Ltmp1, $4  }
0xe: {  	[hbm4b:s7+s2] =	stream.linear.scatter [tilespmem:s10], [sflag:$0x1], $0xA000, $0x38;
	[tilespmem:$0x1A680] =	vst v63  }
0xf: {  	_ =	swait.ge [sflag:s9], $0xA000  }
0x10: {  	[sflag:s9] =	ssyncset.done $0x0  }
0x11: {  	[sflag:s9] =	ssyncadd.s32 $0xFFFF6000  }
.LBB2_1:
0x12: {  	[tilespmem:s2], [sflag:$0x1] =	stream.linear.gather [hbm4b:s6+s2], $0x80, $0x38;
	[tilespmem:$0x1A680] =	vst v63  }
0x13: {  	_ =	swait.ge [sflag:s9], $0x80  }
0x14: {  	[sflag:s9] =	ssyncset.done $0x0  }
0x15: {  	[sflag:s9] =	ssyncadd.s32 $0xFFFFFF80  }
0x16: {  	v3 =	vld.msk [tilespmem:s3+$0x0], $0x1  }
0x17: {  	s14 =	simm.s32 $0x200;
	s16 =	simm.s32 $0x0;
	v4 =	vld.msk [tilespmem:s3+$0x1], $0x1  }
.LBB2_2:
0x18: {  	p0 =	sne.s32 s14, $0x28E00;
	[tilespmem:s16+$0x10280] =	vst v1;
	s15 =	smov.u32 s14;
	s14 =	sadd.s32 $0x200, s14  }
.Ltmp2:
0x19: {  	[tilespmem:s16+$0x10290] =	vst v1;
	(pc) =	sbr.rel @p0 .LBB2_2-.Ltmp2, $2  }
0x1a: {  	_ =	sdelay $0x2  }
0x1b: {  	s16 =	sshra.s32 s15, $0x2  }
0x1c: {  	(v2sf) =	vpush v3, $0x0  }
0x1d: {  	(v2sf) =	vpush v4, $0x0;
	_ =	sdelay $0xd  }
0x1e: {  	s14 =	spop (v2sf)  }
0x1f: {  	s15 =	spop (v2sf);
	s14 =	sand.u32 $0xFFFFFFF8, s14  }
0x20: {  	s15 =	ssub.s32 s15, s14  }
0x21: {  	s15 =	sadd.s32 $0x1FF, s15  }
0x22: {  	s15 =	sshrl.u32 s15, $0x9  }
0x23: {  	p0 =	seq.s32 s15, $0x0  }
.Ltmp3:
0x24: {  	_ = 	snop;
	(pc) =	sbr.rel @p0 .LBB2_10-.Ltmp3, $3  }
0x25: {  	_ =	sdelay $0x1  }
0x26: {  	[tilespmem:s16+$0x10280] =	vst v1  }
0x27: {  	[tilespmem:s16+$0x10290] =	vst v1  }
0x28: {  	v3 =	vbroadcast v3, $0x0;
	v4 =	vbroadcast v4, $0x0;
	s16 =	simm.s32 $0x0;
	s17 =	smov.u32 s14;
	s18 =	simm.s32 $0x0  }
.LBB2_5:
0x29: {  	s19 =	sshll.u32 s18, $0x9  }
0x2a: {  	s19 =	sadd.s32 s14, s19  }
0x2b: {  	s20 =	sshrl.u32 s19, $0x3  }
0x2c: {  	s20 =	sadd.s32 s5, s20  }
0x2d: {  	[tilespmem:s11], [sflag:$0x1] =	stream.linear.gather [hbm4b:s20+s16], $0x200, $0x38;
	[tilespmem:$0x1A680] =	vst v63  }
0x2e: {  	_ =	swait.ge [sflag:s9], $0x200  }
0x2f: {  	[sflag:s9] =	ssyncset.done $0x0  }
0x30: {  	s21 =	simm.s32 $0x0;
	[sflag:s9] =	ssyncadd.s32 $0xFFFFFE00  }
0x31: {  	v5 =	vld [tilespmem:s21+$0x80];
	_ =	sdelay $0x4  }
0x32: {  	v5 =	vadd.s32 v0, v5  }
0x33: {  	v6 =	vadd.s32 s17, v2;
	vm0 =	vgt.s32 v5, $0x0  }
0x34: {  	vm15 =	vge.s32 v6, v3;
	vm1 =	vlt.s32 v6, v4;
	v5 =	vnsel vm0, $0x0, v5  }
0x35: {  	vm0 =	vmand vm15, vm1;
	v5 =	vmin.u32 v5, $0x13F  }
0x36: {  	v5 =	vnsel vm0, $0x140, v5  }
0x37: {  	s22 =	simm.s32 $0x80;
	s20 =	simm.s32 $0x10;
	[tilespmem:s21+$0x80] =	vst v5;
	s21 =	smov.u32 s17  }
.LBB2_6:
0x38: {  	p0 =	sne.s32 s22, $0x7C0;
	v5 =	vld [tilespmem:s20+$0x80];
	_ =	sdelay $0x4  }
0x39: {  	s21 =	sadd.s32 $0x10, s21;
	v5 =	vadd.s32 v0, v5  }
.Ltmp4:
0x3a: {  	v6 =	vadd.s32 s21, v2;
	vm0 =	vgt.s32 v5, $0x0;
	(pc) =	sbr.rel @p0 .LBB2_6-.Ltmp4, $4  }
0x3b: {  	vm1 =	vlt.s32 v6, v4;
	v5 =	vnsel vm0, $0x0, v5;
	vm0 =	vge.s32 v6, v3  }
0x3c: {  	v5 =	vmin.u32 v5, $0x13F;
	vm0 =	vmand vm0, vm1  }
0x3d: {  	v5 =	vnsel vm0, $0x140, v5  }
0x3e: {  	[tilespmem:s20+$0x80] =	vst v5;
	s20 =	sshra.s32 s22, $0x2;
	s22 =	sadd.s32 $0x40, s22  }
0x3f: {  	v5 =	vld [tilespmem:s20+$0x80];
	_ =	sdelay $0x4  }
0x40: {  	s21 =	sadd.s32 $0x10, s21;
	v5 =	vadd.s32 v0, v5  }
0x41: {  	v6 =	vadd.s32 s21, v2;
	vm0 =	vgt.s32 v5, $0x0  }
0x42: {  	vm15 =	vge.s32 v6, v3;
	vm1 =	vlt.s32 v6, v4;
	v5 =	vnsel vm0, $0x0, v5  }
0x43: {  	vm0 =	vmand vm15, vm1;
	v5 =	vmin.u32 v5, $0x13F  }
0x44: {  	s19 =	sshll.u32 s19, $0x4;
	v5 =	vnsel vm0, $0x140, v5  }
0x45: {  	s29 =	simm.s32 $0x0;
	s19 =	sadd.s32 s4, s19;
	[tilespmem:s20+$0x80] =	vst v5  }
0x46: {  	[tilespmem:s12], [sflag:$0x1] =	stream.linear.gather [hbm4b:s19+s29], $0x10000, $0x38;
	[tilespmem:$0x1A680] =	vst v63  }
0x47: {  	_ =	swait.ge [sflag:s9], $0x10000  }
0x48: {  	[sflag:s9] =	ssyncset.done $0x0  }
0x49: {  	s30 =	simm.s32 $0x0;
	[sflag:s9] =	ssyncadd.s32 $0xFFFF0000  }
0x4a: {  	v5 =	vld.msk [tilespmem:s30+$0x80], $0x1;
	_ =	sdelay $0x4  }
0x4b: {  	(v2sf) =	vpush v5, $0x0;
	_ =	sdelay $0xe  }
0x4c: {  	s31 =	spop (v2sf)  }
0x4d: {  	s19 =	simm.s32 $0x290;
	s20 =	sshll.u32 s31, $0x9  }
0x4e: {  	v7 =	vld [tilespmem:s19+$0xFFFFFFF0];
	s21 =	sshra.s32 s20, $0x2  }
0x4f: {  	v8 =	vld [tilespmem:s21+$0x10280]  }
0x50: {  	v5 =	vld [tilespmem:s19+$0x0]  }
0x51: {  	v6 =	vld [tilespmem:s21+$0x10290];
	_ =	sdelay $0x2  }
0x52: {  	s20 =	simm.s32 $0x4;
	v7 =	vmax.f32 v8, v7  }
.LBB2_8:
0x53: {  	p0 =	sne.s32 s20, $0x7FC  }
0x54: {  	[tilespmem:s21+$0x10280] =	vst v7;
	v5 =	vmax.f32 v6, v5;
	s19 =	sadd.s32 $0x80, s19;
	s22 =	smov.u32 s20;
	s20 =	sadd.s32 $0x4, s20  }
0x55: {  	s22 =	sshra.s32 s22, $0x2;
	[tilespmem:s21+$0x10290] =	vst v5  }
0x56: {  	v5 =	vld.msk [tilespmem:s22+$0x80], $0x1;
	_ =	sdelay $0x4  }
0x57: {  	(v2sf) =	vpush v5, $0x0;
	_ =	sdelay $0xe  }
0x58: {  	s21 =	spop (v2sf)  }
0x59: {  	v5 =	vld [tilespmem:s19+$0x0];
	s21 =	sshll.u32 s21, $0x9  }
0x5a: {  	v7 =	vld [tilespmem:s19+$0xFFFFFFF0];
	s21 =	sshra.s32 s21, $0x2  }
0x5b: {  	v8 =	vld [tilespmem:s21+$0x10280]  }
.Ltmp5:
0x5c: {  	v6 =	vld [tilespmem:s21+$0x10290];
	(pc) =	sbr.rel @p0 .LBB2_8-.Ltmp5, $2  }
0x5d: {  	_ =	sdelay $0x2  }
0x5e: {  	v7 =	vmax.f32 v8, v7  }
0x5f: {  	s18 =	sadd.s32 $0x1, s18  }
0x60: {  	p0 =	sne.s32 s18, s15  }
.Ltmp6:
0x61: {  	_ = 	snop;
	(pc) =	sbr.rel @p0 .LBB2_5-.Ltmp6, $4  }
.Ltmp7:
0x62: {  	_ = 	snop;
	(pc) =	sbr.rel @!p0 .LBB2_10-.Ltmp7, $4  }
0x63: {  	_ = 	snop  }
0x64: {  	[tilespmem:s21+$0x10280] =	vst v7;
	v5 =	vmax.f32 v6, v5  }
0x65: {  	s17 =	sadd.s32 $0x200, s17;
	[tilespmem:s21+$0x10290] =	vst v5  }
0x66: {  	_ = 	snop  }
.LBB2_11:
0x67: {  	_ =	sfence.sel $0x180000  }
0x68: {  	[bflag:$0x0] =	sbarrier.arrive $0xFFFF  }
0x69: {  	p0 =	sne.s32 s1, $0x0;
	_ =	strace $0x90000053  }
0x6a: {  	s0 =	sadd.s32 @!p0 $0x100000, s0;
	[bflag:$0x2] =	sbarrier.arrive $0xFFFF  }
0x6b: {  	[sflag:s0] =	ssyncadd.tile.s32 @!p0 $0x1;
	_ =	shalt  }
.Lfunc_end2:
_tile_overlayer_lowered:
.L_overlay_start_2:
0x6c: {  	(tag) =	ssettag $0x2  }
0x6d: {  	s0 =	rddreg [dreg:$0x0];
	s2 =	stileid.u32  }
0x6e: {  	s1 =	rddreg [dreg:$0x1];
	p0 =	sne.s32 s2, $0x0  }
0x6f: {  	s3 =	rddreg [dreg:$0x2];
	[bflag:$0x3] =	sbarrier.arrive $0xFFFF;
	s2 =	simm.s32 @!p0 $0x1C01  }
0x70: {  	[timem:s3], [sflag:s2] =	dma.local @!p0 [hbm:s0], s1  }
0x71: {  	s0 =	simm.s32 @!p0 $0x1  }
0x72: {  	_ =	swait.ge @!p0 [sflag:s0], s1  }
0x73: {  	s1 =	ssub.s32 @!p0 $0x0, s1;
	[sflag:s0] =	ssyncset.done @!p0 $0x0  }
0x74: {  	[sflag:s0] =	ssyncadd.s32 @!p0 s1  }
0x75: {  	[bflag:$0x3] =	sbarrier.arrive $0xFFFF  }
0x76: {  	_ =	shalt  }

</sc_bundles>
